<compile_context>
chip_gen: v7x
topology: tpu7x:2x2x1
jax: 0.10.2.dev20260603
libtpu: 0.0.44.dev20260713+nightly
codegen_flags: <defaults>
</compile_context>

<pallas_src>
import functools

import jax
import jax.numpy as jnp
from jax import lax
from jax.experimental import pallas as pl
from jax.experimental.pallas import tpu as pltpu
from jax.experimental.pallas import tpu_sc as plsc

D = 128
H = 150
CTX = 200
L = 16
RPT = 16
NT = -(-CTX // RPT)
NFULL = CTX // RPT
TAIL = CTX - NFULL * RPT
ND = D // L


def _sc_body(idx_hbm, table_hbm, out_hbm,
             idxa_v, idxt_v, rowsa_v, part_v, sem_i, sem_g):
    s = lax.axis_index("s")

    @pl.when(s < NFULL)
    def _full():
        pltpu.make_async_copy(idx_hbm.at[pl.ds(s * RPT, RPT)], idxa_v,
                              sem_i).start()
        pltpu.make_async_copy(idx_hbm.at[pl.ds(s * RPT, RPT)], idxa_v,
                              sem_i).wait()
        pltpu.make_async_copy(table_hbm.at[idxa_v], rowsa_v, sem_g).start()
        pltpu.make_async_copy(table_hbm.at[idxa_v], rowsa_v, sem_g).wait()
        for k in range(ND):
            acc = rowsa_v[0, pl.ds(k * L, L)]
            for r in range(1, RPT):
                acc = acc + rowsa_v[r, pl.ds(k * L, L)]
            part_v[pl.ds(k * L, L)] = acc
        pltpu.sync_copy(part_v, out_hbm.at[s])

    @pl.when(s == NFULL)
    def _tail():
        pltpu.make_async_copy(idx_hbm.at[pl.ds(NFULL * RPT, TAIL)], idxt_v,
                              sem_i).start()
        pltpu.make_async_copy(idx_hbm.at[pl.ds(NFULL * RPT, TAIL)], idxt_v,
                              sem_i).wait()
        pltpu.make_async_copy(table_hbm.at[idxt_v],
                              rowsa_v.at[pl.ds(0, TAIL)], sem_g).start()
        pltpu.make_async_copy(table_hbm.at[idxt_v],
                              rowsa_v.at[pl.ds(0, TAIL)], sem_g).wait()
        for k in range(ND):
            acc = rowsa_v[0, pl.ds(k * L, L)]
            for r in range(1, TAIL):
                acc = acc + rowsa_v[r, pl.ds(k * L, L)]
            part_v[pl.ds(k * L, L)] = acc
        pltpu.sync_copy(part_v, out_hbm.at[NFULL])


@functools.cache
def _sc_pool():
    return pl.kernel(
        _sc_body,
        mesh=plsc.VectorSubcoreMesh(core_axis_name="c", subcore_axis_name="s",
                                    num_cores=1),
        compiler_params=pltpu.CompilerParams(use_tc_tiling_on_sc=False),
        out_type=jax.ShapeDtypeStruct((NT, D), jnp.float32),
        scratch_types=[
            pltpu.VMEM((RPT,), jnp.int32),
            pltpu.VMEM((TAIL,), jnp.int32),
            pltpu.VMEM((RPT, D), jnp.float32),
            pltpu.VMEM((D,), jnp.float32),
            pltpu.SemaphoreType.DMA,
            pltpu.SemaphoreType.DMA,
        ],
    )


def _mlp_body(p_ref, w1_ref, b1_ref, w2_ref, b2_ref, out_ref):
    pooled = jnp.sum(p_ref[...], axis=0, keepdims=True)
    h = jnp.dot(pooled, w1_ref[...], preferred_element_type=jnp.float32)
    h = jnp.maximum(h + b1_ref[...], 0.0)
    logits = jnp.dot(h, w2_ref[...], preferred_element_type=jnp.float32)
    logits = logits + b2_ref[...]
    m = jnp.max(logits, axis=-1, keepdims=True)
    x = logits - m
    lse = jnp.log(jnp.sum(jnp.exp(x), axis=-1, keepdims=True))
    out_ref[...] = x - lse


_mlp = pl.pallas_call(
    _mlp_body,
    out_shape=jax.ShapeDtypeStruct((1, D), jnp.float32),
)


def kernel(input, emb_table, W1, b1, W2, b2):
    idx = input.astype(jnp.int32)
    parts = _sc_pool()(idx, emb_table)
    return _mlp(parts, W1, b1.reshape(1, H), W2, b2.reshape(1, D))

# --- scband reference (transcript-rebuilt; emitter-appended) ---
"""Pipeline reference for scband-cbow-24575802868475 (READ-ONLY COPY).

The authoritative reference and input builder live on the scoring server;
editing this copy changes nothing except your own understanding.
"""

import jax, jax.numpy as jnp
import numpy as np

VOCAB = 100000
EMBED_DIM = 128
HIDDEN = 150
CTX_LEN = 200

def setup_inputs(seed: int = 0) -> dict:
    key = jax.random.key(seed)
    k_idx, k_emb, k_w1, k_b1, k_w2, k_b2 = jax.random.split(key, 6)
    inp = jax.random.randint(k_idx, (CTX_LEN,), 0, VOCAB, dtype=jnp.int64) if jax.config.jax_enable_x64 else jax.random.randint(k_idx, (CTX_LEN,), 0, VOCAB).astype(jnp.int32)
    emb_table = jax.random.normal(k_emb, (VOCAB, EMBED_DIM), dtype=jnp.float32)
    # Linear(embed_dim, 150)
    W1 = jax.random.normal(k_w1, (EMBED_DIM, HIDDEN), dtype=jnp.float32) * (1.0 / np.sqrt(EMBED_DIM))
    b1 = jax.random.normal(k_b1, (HIDDEN,), dtype=jnp.float32) * 0.01
    # Linear(150, embed_dim)
    W2 = jax.random.normal(k_w2, (HIDDEN, EMBED_DIM), dtype=jnp.float32) * (1.0 / np.sqrt(HIDDEN))
    b2 = jax.random.normal(k_b2, (EMBED_DIM,), dtype=jnp.float32) * 0.01
    return {"input": inp, "emb_table": emb_table, "W1": W1, "b1": b1, "W2": W2, "b2": b2}

def reference(input, emb_table, W1, b1, W2, b2):
    # embedding lookup: [CTX_LEN, EMBED_DIM]
    emb = jnp.take(emb_table, input, axis=0)
    # sum over context words (Python sum over dim 0 in torch), view(1, -1)
    pooled = jnp.sum(emb, axis=0).reshape(1, -1)
    # Sequential: Linear -> ReLU -> Linear -> LogSoftmax
    h = jax.nn.relu(pooled @ W1 + b1)
    logits = h @ W2 + b2
    out = jax.nn.log_softmax(logits, axis=-1)
    return out

if False:  # reference __main__ guard neutralized (emitter)
    out = reference(**setup_inputs())
    print(out.shape, out.dtype)

if __name__ == "__main__":
    import jax
    _d = setup_inputs()
    print(jax.jit(kernel)(*tuple(_d.values())))

</pallas_src>

<mosaic_0001>
#map = affine_map<(d0, d1) -> (0)>
#map1 = affine_map<(d0, d1) -> (0, 0)>
module attributes {stable_mosaic.version = 14 : i64} {
  func.func @_sc_body(%arg0: i32, %arg1: i32, %arg2: memref<200xi32, #tpu.memory_space<hbm>>, %arg3: memref<100000x128xf32, #tpu.memory_space<hbm>>, %arg4: memref<13x128xf32, #tpu.memory_space<hbm>>, %arg5: memref<16xi32, #tpu.memory_space<vmem>>, %arg6: memref<8xi32, #tpu.memory_space<vmem>>, %arg7: memref<16x128xf32, #tpu.memory_space<vmem>>, %arg8: memref<128xf32, #tpu.memory_space<vmem>>, %arg9: memref<!tpu.dma_semaphore, #tpu.memory_space<semaphore_mem>>, %arg10: memref<!tpu.dma_semaphore, #tpu.memory_space<semaphore_mem>>) attributes {dimension_semantics = [#tpu.dimension_semantics<core_parallel>, #tpu.dimension_semantics<subcore_parallel>], iteration_bounds = array<i64: 1, 16>, scalar_prefetch = 0 : i64, scratch_operands = 6 : i64, tpu.core_type = #tpu.core_type<sc_vector_subcore>, window_params = [{transform_indices = #map}, {transform_indices = #map1}, {transform_indices = #map1}]} {
    %lt3A = arith.constant 12 : i32
    %lt3A_0 = arith.cmpi slt, %arg1, %lt3A : i32
    %convert_element_type3A = arith.extui %lt3A_0 : i1 to i32
    %cond3A = arith.constant 0 : i32
    %cond3A_1 = arith.cmpi ne, %convert_element_type3A, %cond3A : i32
    scf.if %cond3A_1 {
      %mul3A = arith.constant 16 : i32
      %mul3A_6 = arith.muli %arg1, %mul3A : i32
      %dma_start3A = tpu.memref_slice %arg2[%mul3A_6] : memref<200xi32, #tpu.memory_space<hbm>> -> memref<16xi32, #tpu.memory_space<hbm>>
      %dma_start3A_7 = tpu.memref_slice %arg2[%mul3A_6] : memref<200xi32, #tpu.memory_space<hbm>> -> memref<16xi32, #tpu.memory_space<hbm>>
      tpu.enqueue_dma source(%dma_start3A_7 : memref<16xi32, #tpu.memory_space<hbm>>) target(%arg5 : memref<16xi32, #tpu.memory_space<vmem>>) target_semaphore(%arg9 : memref<!tpu.dma_semaphore, #tpu.memory_space<semaphore_mem>>)
      %mul3A_8 = arith.constant 16 : i32
      %mul3A_9 = arith.muli %arg1, %mul3A_8 : i32
      %dma_wait3A = tpu.memref_slice %arg2[%mul3A_9] : memref<200xi32, #tpu.memory_space<hbm>> -> memref<16xi32, #tpu.memory_space<hbm>>
      %dma_wait3A_10 = tpu.memref_slice %arg2[%mul3A_9] : memref<200xi32, #tpu.memory_space<hbm>> -> memref<16xi32, #tpu.memory_space<hbm>>
      tpu.wait_dma2 semaphore(%arg9 : memref<!tpu.dma_semaphore, #tpu.memory_space<semaphore_mem>>) src(%dma_wait3A_10 : memref<16xi32, #tpu.memory_space<hbm>>) dst(%arg5 : memref<16xi32, #tpu.memory_space<vmem>>)
      %dma_start3A_11 = arith.constant 0 : i32
      %dma_start3A_12 = arith.constant 0 : i32
      %dma_start3A_13 = tpu.memref_slice %arg3[%dma_start3A_11, %dma_start3A_12] : memref<100000x128xf32, #tpu.memory_space<hbm>> -> memref<100000x128xf32, #tpu.memory_space<hbm>>
      tpu.enqueue_indirect_dma source(%dma_start3A_13 : memref<100000x128xf32, #tpu.memory_space<hbm>>) target(%arg7 : memref<16x128xf32, #tpu.memory_space<vmem>>) offsets(%arg5 : memref<16xi32, #tpu.memory_space<vmem>>) semaphore(%arg10 : memref<!tpu.dma_semaphore, #tpu.memory_space<semaphore_mem>>)
      %dma_wait3A_14 = arith.constant 0 : i32
      %dma_wait3A_15 = arith.constant 0 : i32
      %dma_wait3A_16 = tpu.memref_slice %arg3[%dma_wait3A_14, %dma_wait3A_15] : memref<100000x128xf32, #tpu.memory_space<hbm>> -> memref<100000x128xf32, #tpu.memory_space<hbm>>
      tpu.wait_indirect_dma semaphore(%arg10 : memref<!tpu.dma_semaphore, #tpu.memory_space<semaphore_mem>>) src(%dma_wait3A_16 : memref<100000x128xf32, #tpu.memory_space<hbm>>) dst(%arg7 : memref<16x128xf32, #tpu.memory_space<vmem>>)
      %get3A = arith.constant 0 : i32
      %get3A_17 = arith.index_cast %get3A : i32 to index
      %get3A_18 = arith.constant 0 : index
      %get3A_19 = tpu.vector_load %arg7[%get3A_17, %get3A_18] {strides = array<i32>} : memref<16x128xf32, #tpu.memory_space<vmem>>, vector<1x16xf32>,
      %get3A_20 = vector.shape_cast %get3A_19 : vector<1x16xf32> to vector<16xf32>
      %get3A_21 = arith.constant 1 : i32
      %get3A_22 = arith.index_cast %get3A_21 : i32 to index
      %get3A_23 = arith.constant 0 : index
      %get3A_24 = tpu.vector_load %arg7[%get3A_22, %get3A_23] {strides = array<i32>} : memref<16x128xf32, #tpu.memory_space<vmem>>, vector<1x16xf32>,
      %get3A_25 = vector.shape_cast %get3A_24 : vector<1x16xf32> to vector<16xf32>
      %add3A = arith.addf %get3A_20, %get3A_25 : vector<16xf32>
      %get3A_26 = arith.constant 2 : i32
      %get3A_27 = arith.index_cast %get3A_26 : i32 to index
      %get3A_28 = arith.constant 0 : index
      %get3A_29 = tpu.vector_load %arg7[%get3A_27, %get3A_28] {strides = array<i32>} : memref<16x128xf32, #tpu.memory_space<vmem>>, vector<1x16xf32>,
      %get3A_30 = vector.shape_cast %get3A_29 : vector<1x16xf32> to vector<16xf32>
      %add3A_31 = arith.addf %add3A, %get3A_30 : vector<16xf32>
      %get3A_32 = arith.constant 3 : i32
      %get3A_33 = arith.index_cast %get3A_32 : i32 to index
      %get3A_34 = arith.constant 0 : index
      %get3A_35 = tpu.vector_load %arg7[%get3A_33, %get3A_34] {strides = array<i32>} : memref<16x128xf32, #tpu.memory_space<vmem>>, vector<1x16xf32>,
      %get3A_36 = vector.shape_cast %get3A_35 : vector<1x16xf32> to vector<16xf32>
      %add3A_37 = arith.addf %add3A_31, %get3A_36 : vector<16xf32>
      %get3A_38 = arith.constant 4 : i32
      %get3A_39 = arith.index_cast %get3A_38 : i32 to index
      %get3A_40 = arith.constant 0 : index
      %get3A_41 = tpu.vector_load %arg7[%get3A_39, %get3A_40] {strides = array<i32>} : memref<16x128xf32, #tpu.memory_space<vmem>>, vector<1x16xf32>,
      %get3A_42 = vector.shape_cast %get3A_41 : vector<1x16xf32> to vector<16xf32>
      %add3A_43 = arith.addf %add3A_37, %get3A_42 : vector<16xf32>
      %get3A_44 = arith.constant 5 : i32
      %get3A_45 = arith.index_cast %get3A_44 : i32 to index
      %get3A_46 = arith.constant 0 : index
      %get3A_47 = tpu.vector_load %arg7[%get3A_45, %get3A_46] {strides = array<i32>} : memref<16x128xf32, #tpu.memory_space<vmem>>, vector<1x16xf32>,
      %get3A_48 = vector.shape_cast %get3A_47 : vector<1x16xf32> to vector<16xf32>
      %add3A_49 = arith.addf %add3A_43, %get3A_48 : vector<16xf32>
      %get3A_50 = arith.constant 6 : i32
      %get3A_51 = arith.index_cast %get3A_50 : i32 to index
      %get3A_52 = arith.constant 0 : index
      %get3A_53 = tpu.vector_load %arg7[%get3A_51, %get3A_52] {strides = array<i32>} : memref<16x128xf32, #tpu.memory_space<vmem>>, vector<1x16xf32>,
      %get3A_54 = vector.shape_cast %get3A_53 : vector<1x16xf32> to vector<16xf32>
      %add3A_55 = arith.addf %add3A_49, %get3A_54 : vector<16xf32>
      %get3A_56 = arith.constant 7 : i32
      %get3A_57 = arith.index_cast %get3A_56 : i32 to index
      %get3A_58 = arith.constant 0 : index
      %get3A_59 = tpu.vector_load %arg7[%get3A_57, %get3A_58] {strides = array<i32>} : memref<16x128xf32, #tpu.memory_space<vmem>>, vector<1x16xf32>,
      %get3A_60 = vector.shape_cast %get3A_59 : vector<1x16xf32> to vector<16xf32>
      %add3A_61 = arith.addf %add3A_55, %get3A_60 : vector<16xf32>
      %get3A_62 = arith.constant 8 : i32
      %get3A_63 = arith.index_cast %get3A_62 : i32 to index
      %get3A_64 = arith.constant 0 : index
      %get3A_65 = tpu.vector_load %arg7[%get3A_63, %get3A_64] {strides = array<i32>} : memref<16x128xf32, #tpu.memory_space<vmem>>, vector<1x16xf32>,
      %get3A_66 = vector.shape_cast %get3A_65 : vector<1x16xf32> to vector<16xf32>
      %add3A_67 = arith.addf %add3A_61, %get3A_66 : vector<16xf32>
      %get3A_68 = arith.constant 9 : i32
      %get3A_69 = arith.index_cast %get3A_68 : i32 to index
      %get3A_70 = arith.constant 0 : index
      %get3A_71 = tpu.vector_load %arg7[%get3A_69, %get3A_70] {strides = array<i32>} : memref<16x128xf32, #tpu.memory_space<vmem>>, vector<1x16xf32>,
      %get3A_72 = vector.shape_cast %get3A_71 : vector<1x16xf32> to vector<16xf32>
      %add3A_73 = arith.addf %add3A_67, %get3A_72 : vector<16xf32>
      %get3A_74 = arith.constant 10 : i32
      %get3A_75 = arith.index_cast %get3A_74 : i32 to index
      %get3A_76 = arith.constant 0 : index
      %get3A_77 = tpu.vector_load %arg7[%get3A_75, %get3A_76] {strides = array<i32>} : memref<16x128xf32, #tpu.memory_space<vmem>>, vector<1x16xf32>,
      %get3A_78 = vector.shape_cast %get3A_77 : vector<1x16xf32> to vector<16xf32>
      %add3A_79 = arith.addf %add3A_73, %get3A_78 : vector<16xf32>
      %get3A_80 = arith.constant 11 : i32
      %get3A_81 = arith.index_cast %get3A_80 : i32 to index
      %get3A_82 = arith.constant 0 : index
      %get3A_83 = tpu.vector_load %arg7[%get3A_81, %get3A_82] {strides = array<i32>} : memref<16x128xf32, #tpu.memory_space<vmem>>, vector<1x16xf32>,
      %get3A_84 = vector.shape_cast %get3A_83 : vector<1x16xf32> to vector<16xf32>
      %add3A_85 = arith.addf %add3A_79, %get3A_84 : vector<16xf32>
      %get3A_86 = arith.constant 12 : i32
      %get3A_87 = arith.index_cast %get3A_86 : i32 to index
      %get3A_88 = arith.constant 0 : index
      %get3A_89 = tpu.vector_load %arg7[%get3A_87, %get3A_88] {strides = array<i32>} : memref<16x128xf32, #tpu.memory_space<vmem>>, vector<1x16xf32>,
      %get3A_90 = vector.shape_cast %get3A_89 : vector<1x16xf32> to vector<16xf32>
      %add3A_91 = arith.addf %add3A_85, %get3A_90 : vector<16xf32>
      %get3A_92 = arith.constant 13 : i32
      %get3A_93 = arith.index_cast %get3A_92 : i32 to index
      %get3A_94 = arith.constant 0 : index
      %get3A_95 = tpu.vector_load %arg7[%get3A_93, %get3A_94] {strides = array<i32>} : memref<16x128xf32, #tpu.memory_space<vmem>>, vector<1x16xf32>,
      %get3A_96 = vector.shape_cast %get3A_95 : vector<1x16xf32> to vector<16xf32>
      %add3A_97 = arith.addf %add3A_91, %get3A_96 : vector<16xf32>
      %get3A_98 = arith.constant 14 : i32
      %get3A_99 = arith.index_cast %get3A_98 : i32 to index
      %get3A_100 = arith.constant 0 : index
      %get3A_101 = tpu.vector_load %arg7[%get3A_99, %get3A_100] {strides = array<i32>} : memref<16x128xf32, #tpu.memory_space<vmem>>, vector<1x16xf32>,
      %get3A_102 = vector.shape_cast %get3A_101 : vector<1x16xf32> to vector<16xf32>
      %add3A_103 = arith.addf %add3A_97, %get3A_102 : vector<16xf32>
      %get3A_104 = arith.constant 15 : i32
      %get3A_105 = arith.index_cast %get3A_104 : i32 to index
      %get3A_106 = arith.constant 0 : index
      %get3A_107 = tpu.vector_load %arg7[%get3A_105, %get3A_106] {strides = array<i32>} : memref<16x128xf32, #tpu.memory_space<vmem>>, vector<1x16xf32>,
      %get3A_108 = vector.shape_cast %get3A_107 : vector<1x16xf32> to vector<16xf32>
      %add3A_109 = arith.addf %add3A_103, %get3A_108 : vector<16xf32>
      %swap3A = arith.constant 0 : index
      %swap3A_110 = tpu.vector_load %arg8[%swap3A] {strides = array<i32>} : memref<128xf32, #tpu.memory_space<vmem>>, vector<16xf32>,
      %swap3A_111 = vector.shape_cast %swap3A_110 : vector<16xf32> to vector<16xf32>
      %swap3A_112 = vector.shape_cast %add3A_109 : vector<16xf32> to vector<16xf32>
      tpu.vector_store %arg8[%swap3A], %swap3A_112 {strides = array<i32>} : memref<128xf32, #tpu.memory_space<vmem>>, vector<16xf32>,
      %get3A_113 = arith.constant 0 : i32
      %get3A_114 = arith.index_cast %get3A_113 : i32 to index
      %get3A_115 = arith.constant 16 : index
      %get3A_116 = tpu.vector_load %arg7[%get3A_114, %get3A_115] {strides = array<i32>} : memref<16x128xf32, #tpu.memory_space<vmem>>, vector<1x16xf32>,
      %get3A_117 = vector.shape_cast %get3A_116 : vector<1x16xf32> to vector<16xf32>
      %get3A_118 = arith.constant 1 : i32
      %get3A_119 = arith.index_cast %get3A_118 : i32 to index
      %get3A_120 = arith.constant 16 : index
      %get3A_121 = tpu.vector_load %arg7[%get3A_119, %get3A_120] {strides = array<i32>} : memref<16x128xf32, #tpu.memory_space<vmem>>, vector<1x16xf32>,
      %get3A_122 = vector.shape_cast %get3A_121 : vector<1x16xf32> to vector<16xf32>
      %add3A_123 = arith.addf %get3A_117, %get3A_122 : vector<16xf32>
      %get3A_124 = arith.constant 2 : i32
      %get3A_125 = arith.index_cast %get3A_124 : i32 to index
      %get3A_126 = arith.constant 16 : index
      %get3A_127 = tpu.vector_load %arg7[%get3A_125, %get3A_126] {strides = array<i32>} : memref<16x128xf32, #tpu.memory_space<vmem>>, vector<1x16xf32>,
      %get3A_128 = vector.shape_cast %get3A_127 : vector<1x16xf32> to vector<16xf32>
      %add3A_129 = arith.addf %add3A_123, %get3A_128 : vector<16xf32>
      %get3A_130 = arith.constant 3 : i32
      %get3A_131 = arith.index_cast %get3A_130 : i32 to index
      %get3A_132 = arith.constant 16 : index
      %get3A_133 = tpu.vector_load %arg7[%get3A_131, %get3A_132] {strides = array<i32>} : memref<16x128xf32, #tpu.memory_space<vmem>>, vector<1x16xf32>,
      %get3A_134 = vector.shape_cast %get3A_133 : vector<1x16xf32> to vector<16xf32>
      %add3A_135 = arith.addf %add3A_129, %get3A_134 : vector<16xf32>
      %get3A_136 = arith.constant 4 : i32
      %get3A_137 = arith.index_cast %get3A_136 : i32 to index
      %get3A_138 = arith.constant 16 : index
      %get3A_139 = tpu.vector_load %arg7[%get3A_137, %get3A_138] {strides = array<i32>} : memref<16x128xf32, #tpu.memory_space<vmem>>, vector<1x16xf32>,
      %get3A_140 = vector.shape_cast %get3A_139 : vector<1x16xf32> to vector<16xf32>
      %add3A_141 = arith.addf %add3A_135, %get3A_140 : vector<16xf32>
      %get3A_142 = arith.constant 5 : i32
      %get3A_143 = arith.index_cast %get3A_142 : i32 to index
      %get3A_144 = arith.constant 16 : index
      %get3A_145 = tpu.vector_load %arg7[%get3A_143, %get3A_144] {strides = array<i32>} : memref<16x128xf32, #tpu.memory_space<vmem>>, vector<1x16xf32>,
      %get3A_146 = vector.shape_cast %get3A_145 : vector<1x16xf32> to vector<16xf32>
      %add3A_147 = arith.addf %add3A_141, %get3A_146 : vector<16xf32>
      %get3A_148 = arith.constant 6 : i32
      %get3A_149 = arith.index_cast %get3A_148 : i32 to index
      %get3A_150 = arith.constant 16 : index
      %get3A_151 = tpu.vector_load %arg7[%get3A_149, %get3A_150] {strides = array<i32>} : memref<16x128xf32, #tpu.memory_space<vmem>>, vector<1x16xf32>,
      %get3A_152 = vector.shape_cast %get3A_151 : vector<1x16xf32> to vector<16xf32>
      %add3A_153 = arith.addf %add3A_147, %get3A_152 : vector<16xf32>
      %get3A_154 = arith.constant 7 : i32
      %get3A_155 = arith.index_cast %get3A_154 : i32 to index
      %get3A_156 = arith.constant 16 : index
      %get3A_157 = tpu.vector_load %arg7[%get3A_155, %get3A_156] {strides = array<i32>} : memref<16x128xf32, #tpu.memory_space<vmem>>, vector<1x16xf32>,
      %get3A_158 = vector.shape_cast %get3A_157 : vector<1x16xf32> to vector<16xf32>
      %add3A_159 = arith.addf %add3A_153, %get3A_158 : vector<16xf32>
      %get3A_160 = arith.constant 8 : i32
      %get3A_161 = arith.index_cast %get3A_160 : i32 to index
      %get3A_162 = arith.constant 16 : index
      %get3A_163 = tpu.vector_load %arg7[%get3A_161, %get3A_162] {strides = array<i32>} : memref<16x128xf32, #tpu.memory_space<vmem>>, vector<1x16xf32>,
      %get3A_164 = vector.shape_cast %get3A_163 : vector<1x16xf32> to vector<16xf32>
      %add3A_165 = arith.addf %add3A_159, %get3A_164 : vector<16xf32>
      %get3A_166 = arith.constant 9 : i32
      %get3A_167 = arith.index_cast %get3A_166 : i32 to index
      %get3A_168 = arith.constant 16 : index
      %get3A_169 = tpu.vector_load %arg7[%get3A_167, %get3A_168] {strides = array<i32>} : memref<16x128xf32, #tpu.memory_space<vmem>>, vector<1x16xf32>,
      %get3A_170 = vector.shape_cast %get3A_169 : vector<1x16xf32> to vector<16xf32>
      %add3A_171 = arith.addf %add3A_165, %get3A_170 : vector<16xf32>
      %get3A_172 = arith.constant 10 : i32
      %get3A_173 = arith.index_cast %get3A_172 : i32 to index
      %get3A_174 = arith.constant 16 : index
      %get3A_175 = tpu.vector_load %arg7[%get3A_173, %get3A_174] {strides = array<i32>} : memref<16x128xf32, #tpu.memory_space<vmem>>, vector<1x16xf32>,
      %get3A_176 = vector.shape_cast %get3A_175 : vector<1x16xf32> to vector<16xf32>
      %add3A_177 = arith.addf %add3A_171, %get3A_176 : vector<16xf32>
      %get3A_178 = arith.constant 11 : i32
      %get3A_179 = arith.index_cast %get3A_178 : i32 to index
      %get3A_180 = arith.constant 16 : index
      %get3A_181 = tpu.vector_load %arg7[%get3A_179, %get3A_180] {strides = array<i32>} : memref<16x128xf32, #tpu.memory_space<vmem>>, vector<1x16xf32>,
      %get3A_182 = vector.shape_cast %get3A_181 : vector<1x16xf32> to vector<16xf32>
      %add3A_183 = arith.addf %add3A_177, %get3A_182 : vector<16xf32>
      %get3A_184 = arith.constant 12 : i32
      %get3A_185 = arith.index_cast %get3A_184 : i32 to index
      %get3A_186 = arith.constant 16 : index
      %get3A_187 = tpu.vector_load %arg7[%get3A_185, %get3A_186] {strides = array<i32>} : memref<16x128xf32, #tpu.memory_space<vmem>>, vector<1x16xf32>,
      %get3A_188 = vector.shape_cast %get3A_187 : vector<1x16xf32> to vector<16xf32>
      %add3A_189 = arith.addf %add3A_183, %get3A_188 : vector<16xf32>
      %get3A_190 = arith.constant 13 : i32
      %get3A_191 = arith.index_cast %get3A_190 : i32 to index
      %get3A_192 = arith.constant 16 : index
      %get3A_193 = tpu.vector_load %arg7[%get3A_191, %get3A_192] {strides = array<i32>} : memref<16x128xf32, #tpu.memory_space<vmem>>, vector<1x16xf32>,
      %get3A_194 = vector.shape_cast %get3A_193 : vector<1x16xf32> to vector<16xf32>
      %add3A_195 = arith.addf %add3A_189, %get3A_194 : vector<16xf32>
      %get3A_196 = arith.constant 14 : i32
      %get3A_197 = arith.index_cast %get3A_196 : i32 to index
      %get3A_198 = arith.constant 16 : index
      %get3A_199 = tpu.vector_load %arg7[%get3A_197, %get3A_198] {strides = array<i32>} : memref<16x128xf32, #tpu.memory_space<vmem>>, vector<1x16xf32>,
      %get3A_200 = vector.shape_cast %get3A_199 : vector<1x16xf32> to vector<16xf32>
      %add3A_201 = arith.addf %add3A_195, %get3A_200 : vector<16xf32>
      %get3A_202 = arith.constant 15 : i32
      %get3A_203 = arith.index_cast %get3A_202 : i32 to index
      %get3A_204 = arith.constant 16 : index
      %get3A_205 = tpu.vector_load %arg7[%get3A_203, %get3A_204] {strides = array<i32>} : memref<16x128xf32, #tpu.memory_space<vmem>>, vector<1x16xf32>,
      %get3A_206 = vector.shape_cast %get3A_205 : vector<1x16xf32> to vector<16xf32>
      %add3A_207 = arith.addf %add3A_201, %get3A_206 : vector<16xf32>
      %swap3A_208 = arith.constant 16 : index
      %swap3A_209 = tpu.vector_load %arg8[%swap3A_208] {strides = array<i32>} : memref<128xf32, #tpu.memory_space<vmem>>, vector<16xf32>,
      %swap3A_210 = vector.shape_cast %swap3A_209 : vector<16xf32> to vector<16xf32>
      %swap3A_211 = vector.shape_cast %add3A_207 : vector<16xf32> to vector<16xf32>
      tpu.vector_store %arg8[%swap3A_208], %swap3A_211 {strides = array<i32>} : memref<128xf32, #tpu.memory_space<vmem>>, vector<16xf32>,
      %get3A_212 = arith.constant 0 : i32
      %get3A_213 = arith.index_cast %get3A_212 : i32 to index
      %get3A_214 = arith.constant 32 : index
      %get3A_215 = tpu.vector_load %arg7[%get3A_213, %get3A_214] {strides = array<i32>} : memref<16x128xf32, #tpu.memory_space<vmem>>, vector<1x16xf32>,
      %get3A_216 = vector.shape_cast %get3A_215 : vector<1x16xf32> to vector<16xf32>
      %get3A_217 = arith.constant 1 : i32
      %get3A_218 = arith.index_cast %get3A_217 : i32 to index
      %get3A_219 = arith.constant 32 : index
      %get3A_220 = tpu.vector_load %arg7[%get3A_218, %get3A_219] {strides = array<i32>} : memref<16x128xf32, #tpu.memory_space<vmem>>, vector<1x16xf32>,
      %get3A_221 = vector.shape_cast %get3A_220 : vector<1x16xf32> to vector<16xf32>
      %add3A_222 = arith.addf %get3A_216, %get3A_221 : vector<16xf32>
      %get3A_223 = arith.constant 2 : i32
      %get3A_224 = arith.index_cast %get3A_223 : i32 to index
      %get3A_225 = arith.constant 32 : index
      %get3A_226 = tpu.vector_load %arg7[%get3A_224, %get3A_225] {strides = array<i32>} : memref<16x128xf32, #tpu.memory_space<vmem>>, vector<1x16xf32>,
      %get3A_227 = vector.shape_cast %get3A_226 : vector<1x16xf32> to vector<16xf32>
      %add3A_228 = arith.addf %add3A_222, %get3A_227 : vector<16xf32>
      %get3A_229 = arith.constant 3 : i32
      %get3A_230 = arith.index_cast %get3A_229 : i32 to index
      %get3A_231 = arith.constant 32 : index
      %get3A_232 = tpu.vector_load %arg7[%get3A_230, %get3A_231] {strides = array<i32>} : memref<16x128xf32, #tpu.memory_space<vmem>>, vector<1x16xf32>,
      %get3A_233 = vector.shape_cast %get3A_232 : vector<1x16xf32> to vector<16xf32>
      %add3A_234 = arith.addf %add3A_228, %get3A_233 : vector<16xf32>
      %get3A_235 = arith.constant 4 : i32
      %get3A_236 = arith.index_cast %get3A_235 : i32 to index
      %get3A_237 = arith.constant 32 : index
      %get3A_238 = tpu.vector_load %arg7[%get3A_236, %get3A_237] {strides = array<i32>} : memref<16x128xf32, #tpu.memory_space<vmem>>, vector<1x16xf32>,
      %get3A_239 = vector.shape_cast %get3A_238 : vector<1x16xf32> to vector<16xf32>
      %add3A_240 = arith.addf %add3A_234, %get3A_239 : vector<16xf32>
      %get3A_241 = arith.constant 5 : i32
      %get3A_242 = arith.index_cast %get3A_241 : i32 to index
      %get3A_243 = arith.constant 32 : index
      %get3A_244 = tpu.vector_load %arg7[%get3A_242, %get3A_243] {strides = array<i32>} : memref<16x128xf32, #tpu.memory_space<vmem>>, vector<1x16xf32>,
      %get3A_245 = vector.shape_cast %get3A_244 : vector<1x16xf32> to vector<16xf32>
      %add3A_246 = arith.addf %add3A_240, %get3A_245 : vector<16xf32>
      %get3A_247 = arith.constant 6 : i32
      %get3A_248 = arith.index_cast %get3A_247 : i32 to index
      %get3A_249 = arith.constant 32 : index
      %get3A_250 = tpu.vector_load %arg7[%get3A_248, %get3A_249] {strides = array<i32>} : memref<16x128xf32, #tpu.memory_space<vmem>>, vector<1x16xf32>,
      %get3A_251 = vector.shape_cast %get3A_250 : vector<1x16xf32> to vector<16xf32>
      %add3A_252 = arith.addf %add3A_246, %get3A_251 : vector<16xf32>
      %get3A_253 = arith.constant 7 : i32
      %get3A_254 = arith.index_cast %get3A_253 : i32 to index
      %get3A_255 = arith.constant 32 : index
      %get3A_256 = tpu.vector_load %arg7[%get3A_254, %get3A_255] {strides = array<i32>} : memref<16x128xf32, #tpu.memory_space<vmem>>, vector<1x16xf32>,
      %get3A_257 = vector.shape_cast %get3A_256 : vector<1x16xf32> to vector<16xf32>
      %add3A_258 = arith.addf %add3A_252, %get3A_257 : vector<16xf32>
      %get3A_259 = arith.constant 8 : i32
      %get3A_260 = arith.index_cast %get3A_259 : i32 to index
      %get3A_261 = arith.constant 32 : index
      %get3A_262 = tpu.vector_load %arg7[%get3A_260, %get3A_261] {strides = array<i32>} : memref<16x128xf32, #tpu.memory_space<vmem>>, vector<1x16xf32>,
      %get3A_263 = vector.shape_cast %get3A_262 : vector<1x16xf32> to vector<16xf32>
      %add3A_264 = arith.addf %add3A_258, %get3A_263 : vector<16xf32>
      %get3A_265 = arith.constant 9 : i32
      %get3A_266 = arith.index_cast %get3A_265 : i32 to index
      %get3A_267 = arith.constant 32 : index
      %get3A_268 = tpu.vector_load %arg7[%get3A_266, %get3A_267] {strides = array<i32>} : memref<16x128xf32, #tpu.memory_space<vmem>>, vector<1x16xf32>,
      %get3A_269 = vector.shape_cast %get3A_268 : vector<1x16xf32> to vector<16xf32>
      %add3A_270 = arith.addf %add3A_264, %get3A_269 : vector<16xf32>
      %get3A_271 = arith.constant 10 : i32
      %get3A_272 = arith.index_cast %get3A_271 : i32 to index
      %get3A_273 = arith.constant 32 : index
      %get3A_274 = tpu.vector_load %arg7[%get3A_272, %get3A_273] {strides = array<i32>} : memref<16x128xf32, #tpu.memory_space<vmem>>, vector<1x16xf32>,
      %get3A_275 = vector.shape_cast %get3A_274 : vector<1x16xf32> to vector<16xf32>
      %add3A_276 = arith.addf %add3A_270, %get3A_275 : vector<16xf32>
      %get3A_277 = arith.constant 11 : i32
      %get3A_278 = arith.index_cast %get3A_277 : i32 to index
      %get3A_279 = arith.constant 32 : index
      %get3A_280 = tpu.vector_load %arg7[%get3A_278, %get3A_279] {strides = array<i32>} : memref<16x128xf32, #tpu.memory_space<vmem>>, vector<1x16xf32>,
      %get3A_281 = vector.shape_cast %get3A_280 : vector<1x16xf32> to vector<16xf32>
      %add3A_282 = arith.addf %add3A_276, %get3A_281 : vector<16xf32>
      %get3A_283 = arith.constant 12 : i32
      %get3A_284 = arith.index_cast %get3A_283 : i32 to index
      %get3A_285 = arith.constant 32 : index
      %get3A_286 = tpu.vector_load %arg7[%get3A_284, %get3A_285] {strides = array<i32>} : memref<16x128xf32, #tpu.memory_space<vmem>>, vector<1x16xf32>,
      %get3A_287 = vector.shape_cast %get3A_286 : vector<1x16xf32> to vector<16xf32>
      %add3A_288 = arith.addf %add3A_282, %get3A_287 : vector<16xf32>
      %get3A_289 = arith.constant 13 : i32
      %get3A_290 = arith.index_cast %get3A_289 : i32 to index
      %get3A_291 = arith.constant 32 : index
      %get3A_292 = tpu.vector_load %arg7[%get3A_290, %get3A_291] {strides = array<i32>} : memref<16x128xf32, #tpu.memory_space<vmem>>, vector<1x16xf32>,
      %get3A_293 = vector.shape_cast %get3A_292 : vector<1x16xf32> to vector<16xf32>
      %add3A_294 = arith.addf %add3A_288, %get3A_293 : vector<16xf32>
      %get3A_295 = arith.constant 14 : i32
      %get3A_296 = arith.index_cast %get3A_295 : i32 to index
      %get3A_297 = arith.constant 32 : index
      %get3A_298 = tpu.vector_load %arg7[%get3A_296, %get3A_297] {strides = array<i32>} : memref<16x128xf32, #tpu.memory_space<vmem>>, vector<1x16xf32>,
      %get3A_299 = vector.shape_cast %get3A_298 : vector<1x16xf32> to vector<16xf32>
      %add3A_300 = arith.addf %add3A_294, %get3A_299 : vector<16xf32>
      %get3A_301 = arith.constant 15 : i32
      %get3A_302 = arith.index_cast %get3A_301 : i32 to index
      %get3A_303 = arith.constant 32 : index
      %get3A_304 = tpu.vector_load %arg7[%get3A_302, %get3A_303] {strides = array<i32>} : memref<16x128xf32, #tpu.memory_space<vmem>>, vector<1x16xf32>,
      %get3A_305 = vector.shape_cast %get3A_304 : vector<1x16xf32> to vector<16xf32>
      %add3A_306 = arith.addf %add3A_300, %get3A_305 : vector<16xf32>
      %swap3A_307 = arith.constant 32 : index
      %swap3A_308 = tpu.vector_load %arg8[%swap3A_307] {strides = array<i32>} : memref<128xf32, #tpu.memory_space<vmem>>, vector<16xf32>,
      %swap3A_309 = vector.shape_cast %swap3A_308 : vector<16xf32> to vector<16xf32>
      %swap3A_310 = vector.shape_cast %add3A_306 : vector<16xf32> to vector<16xf32>
      tpu.vector_store %arg8[%swap3A_307], %swap3A_310 {strides = array<i32>} : memref<128xf32, #tpu.memory_space<vmem>>, vector<16xf32>,
      %get3A_311 = arith.constant 0 : i32
      %get3A_312 = arith.index_cast %get3A_311 : i32 to index
      %get3A_313 = arith.constant 48 : index
      %get3A_314 = tpu.vector_load %arg7[%get3A_312, %get3A_313] {strides = array<i32>} : memref<16x128xf32, #tpu.memory_space<vmem>>, vector<1x16xf32>,
      %get3A_315 = vector.shape_cast %get3A_314 : vector<1x16xf32> to vector<16xf32>
      %get3A_316 = arith.constant 1 : i32
      %get3A_317 = arith.index_cast %get3A_316 : i32 to index
      %get3A_318 = arith.constant 48 : index
      %get3A_319 = tpu.vector_load %arg7[%get3A_317, %get3A_318] {strides = array<i32>} : memref<16x128xf32, #tpu.memory_space<vmem>>, vector<1x16xf32>,
      %get3A_320 = vector.shape_cast %get3A_319 : vector<1x16xf32> to vector<16xf32>
      %add3A_321 = arith.addf %get3A_315, %get3A_320 : vector<16xf32>
      %get3A_322 = arith.constant 2 : i32
      %get3A_323 = arith.index_cast %get3A_322 : i32 to index
      %get3A_324 = arith.constant 48 : index
      %get3A_325 = tpu.vector_load %arg7[%get3A_323, %get3A_324] {strides = array<i32>} : memref<16x128xf32, #tpu.memory_space<vmem>>, vector<1x16xf32>,
      %get3A_326 = vector.shape_cast %get3A_325 : vector<1x16xf32> to vector<16xf32>
      %add3A_327 = arith.addf %add3A_321, %get3A_326 : vector<16xf32>
      %get3A_328 = arith.constant 3 : i32
      %get3A_329 = arith.index_cast %get3A_328 : i32 to index
      %get3A_330 = arith.constant 48 : index
      %get3A_331 = tpu.vector_load %arg7[%get3A_329, %get3A_330] {strides = array<i32>} : memref<16x128xf32, #tpu.memory_space<vmem>>, vector<1x16xf32>,
      %get3A_332 = vector.shape_cast %get3A_331 : vector<1x16xf32> to vector<16xf32>
      %add3A_333 = arith.addf %add3A_327, %get3A_332 : vector<16xf32>
      %get3A_334 = arith.constant 4 : i32
      %get3A_335 = arith.index_cast %get3A_334 : i32 to index
      %get3A_336 = arith.constant 48 : index
      %get3A_337 = tpu.vector_load %arg7[%get3A_335, %get3A_336] {strides = array<i32>} : memref<16x128xf32, #tpu.memory_space<vmem>>, vector<1x16xf32>,
      %get3A_338 = vector.shape_cast %get3A_337 : vector<1x16xf32> to vector<16xf32>
      %add3A_339 = arith.addf %add3A_333, %get3A_338 : vector<16xf32>
      %get3A_340 = arith.constant 5 : i32
      %get3A_341 = arith.index_cast %get3A_340 : i32 to index
      %get3A_342 = arith.constant 48 : index
      %get3A_343 = tpu.vector_load %arg7[%get3A_341, %get3A_342] {strides = array<i32>} : memref<16x128xf32, #tpu.memory_space<vmem>>, vector<1x16xf32>,
      %get3A_344 = vector.shape_cast %get3A_343 : vector<1x16xf32> to vector<16xf32>
      %add3A_345 = arith.addf %add3A_339, %get3A_344 : vector<16xf32>
      %get3A_346 = arith.constant 6 : i32
      %get3A_347 = arith.index_cast %get3A_346 : i32 to index
      %get3A_348 = arith.constant 48 : index
      %get3A_349 = tpu.vector_load %arg7[%get3A_347, %get3A_348] {strides = array<i32>} : memref<16x128xf32, #tpu.memory_space<vmem>>, vector<1x16xf32>,
      %get3A_350 = vector.shape_cast %get3A_349 : vector<1x16xf32> to vector<16xf32>
      %add3A_351 = arith.addf %add3A_345, %get3A_350 : vector<16xf32>
      %get3A_352 = arith.constant 7 : i32
      %get3A_353 = arith.index_cast %get3A_352 : i32 to index
      %get3A_354 = arith.constant 48 : index
      %get3A_355 = tpu.vector_load %arg7[%get3A_353, %get3A_354] {strides = array<i32>} : memref<16x128xf32, #tpu.memory_space<vmem>>, vector<1x16xf32>,
      %get3A_356 = vector.shape_cast %get3A_355 : vector<1x16xf32> to vector<16xf32>
      %add3A_357 = arith.addf %add3A_351, %get3A_356 : vector<16xf32>
      %get3A_358 = arith.constant 8 : i32
      %get3A_359 = arith.index_cast %get3A_358 : i32 to index
      %get3A_360 = arith.constant 48 : index
      %get3A_361 = tpu.vector_load %arg7[%get3A_359, %get3A_360] {strides = array<i32>} : memref<16x128xf32, #tpu.memory_space<vmem>>, vector<1x16xf32>,
      %get3A_362 = vector.shape_cast %get3A_361 : vector<1x16xf32> to vector<16xf32>
      %add3A_363 = arith.addf %add3A_357, %get3A_362 : vector<16xf32>
      %get3A_364 = arith.constant 9 : i32
      %get3A_365 = arith.index_cast %get3A_364 : i32 to index
      %get3A_366 = arith.constant 48 : index
      %get3A_367 = tpu.vector_load %arg7[%get3A_365, %get3A_366] {strides = array<i32>} : memref<16x128xf32, #tpu.memory_space<vmem>>, vector<1x16xf32>,
      %get3A_368 = vector.shape_cast %get3A_367 : vector<1x16xf32> to vector<16xf32>
      %add3A_369 = arith.addf %add3A_363, %get3A_368 : vector<16xf32>
      %get3A_370 = arith.constant 10 : i32
      %get3A_371 = arith.index_cast %get3A_370 : i32 to index
      %get3A_372 = arith.constant 48 : index
      %get3A_373 = tpu.vector_load %arg7[%get3A_371, %get3A_372] {strides = array<i32>} : memref<16x128xf32, #tpu.memory_space<vmem>>, vector<1x16xf32>,
      %get3A_374 = vector.shape_cast %get3A_373 : vector<1x16xf32> to vector<16xf32>
      %add3A_375 = arith.addf %add3A_369, %get3A_374 : vector<16xf32>
      %get3A_376 = arith.constant 11 : i32
      %get3A_377 = arith.index_cast %get3A_376 : i32 to index
      %get3A_378 = arith.constant 48 : index
      %get3A_379 = tpu.vector_load %arg7[%get3A_377, %get3A_378] {strides = array<i32>} : memref<16x128xf32, #tpu.memory_space<vmem>>, vector<1x16xf32>,
      %get3A_380 = vector.shape_cast %get3A_379 : vector<1x16xf32> to vector<16xf32>
      %add3A_381 = arith.addf %add3A_375, %get3A_380 : vector<16xf32>
      %get3A_382 = arith.constant 12 : i32
      %get3A_383 = arith.index_cast %get3A_382 : i32 to index
      %get3A_384 = arith.constant 48 : index
      %get3A_385 = tpu.vector_load %arg7[%get3A_383, %get3A_384] {strides = array<i32>} : memref<16x128xf32, #tpu.memory_space<vmem>>, vector<1x16xf32>,
      %get3A_386 = vector.shape_cast %get3A_385 : vector<1x16xf32> to vector<16xf32>
      %add3A_387 = arith.addf %add3A_381, %get3A_386 : vector<16xf32>
      %get3A_388 = arith.constant 13 : i32
      %get3A_389 = arith.index_cast %get3A_388 : i32 to index
      %get3A_390 = arith.constant 48 : index
      %get3A_391 = tpu.vector_load %arg7[%get3A_389, %get3A_390] {strides = array<i32>} : memref<16x128xf32, #tpu.memory_space<vmem>>, vector<1x16xf32>,
      %get3A_392 = vector.shape_cast %get3A_391 : vector<1x16xf32> to vector<16xf32>
      %add3A_393 = arith.addf %add3A_387, %get3A_392 : vector<16xf32>
      %get3A_394 = arith.constant 14 : i32
      %get3A_395 = arith.index_cast %get3A_394 : i32 to index
      %get3A_396 = arith.constant 48 : index
      %get3A_397 = tpu.vector_load %arg7[%get3A_395, %get3A_396] {strides = array<i32>} : memref<16x128xf32, #tpu.memory_space<vmem>>, vector<1x16xf32>,
      %get3A_398 = vector.shape_cast %get3A_397 : vector<1x16xf32> to vector<16xf32>
      %add3A_399 = arith.addf %add3A_393, %get3A_398 : vector<16xf32>
      %get3A_400 = arith.constant 15 : i32
      %get3A_401 = arith.index_cast %get3A_400 : i32 to index
      %get3A_402 = arith.constant 48 : index
      %get3A_403 = tpu.vector_load %arg7[%get3A_401, %get3A_402] {strides = array<i32>} : memref<16x128xf32, #tpu.memory_space<vmem>>, vector<1x16xf32>,
      %get3A_404 = vector.shape_cast %get3A_403 : vector<1x16xf32> to vector<16xf32>
      %add3A_405 = arith.addf %add3A_399, %get3A_404 : vector<16xf32>
      %swap3A_406 = arith.constant 48 : index
      %swap3A_407 = tpu.vector_load %arg8[%swap3A_406] {strides = array<i32>} : memref<128xf32, #tpu.memory_space<vmem>>, vector<16xf32>,
      %swap3A_408 = vector.shape_cast %swap3A_407 : vector<16xf32> to vector<16xf32>
      %swap3A_409 = vector.shape_cast %add3A_405 : vector<16xf32> to vector<16xf32>
      tpu.vector_store %arg8[%swap3A_406], %swap3A_409 {strides = array<i32>} : memref<128xf32, #tpu.memory_space<vmem>>, vector<16xf32>,
      %get3A_410 = arith.constant 0 : i32
      %get3A_411 = arith.index_cast %get3A_410 : i32 to index
      %get3A_412 = arith.constant 64 : index
      %get3A_413 = tpu.vector_load %arg7[%get3A_411, %get3A_412] {strides = array<i32>} : memref<16x128xf32, #tpu.memory_space<vmem>>, vector<1x16xf32>,
      %get3A_414 = vector.shape_cast %get3A_413 : vector<1x16xf32> to vector<16xf32>
      %get3A_415 = arith.constant 1 : i32
      %get3A_416 = arith.index_cast %get3A_415 : i32 to index
      %get3A_417 = arith.constant 64 : index
      %get3A_418 = tpu.vector_load %arg7[%get3A_416, %get3A_417] {strides = array<i32>} : memref<16x128xf32, #tpu.memory_space<vmem>>, vector<1x16xf32>,
      %get3A_419 = vector.shape_cast %get3A_418 : vector<1x16xf32> to vector<16xf32>
      %add3A_420 = arith.addf %get3A_414, %get3A_419 : vector<16xf32>
      %get3A_421 = arith.constant 2 : i32
      %get3A_422 = arith.index_cast %get3A_421 : i32 to index
      %get3A_423 = arith.constant 64 : index
      %get3A_424 = tpu.vector_load %arg7[%get3A_422, %get3A_423] {strides = array<i32>} : memref<16x128xf32, #tpu.memory_space<vmem>>, vector<1x16xf32>,
      %get3A_425 = vector.shape_cast %get3A_424 : vector<1x16xf32> to vector<16xf32>
      %add3A_426 = arith.addf %add3A_420, %get3A_425 : vector<16xf32>
      %get3A_427 = arith.constant 3 : i32
      %get3A_428 = arith.index_cast %get3A_427 : i32 to index
      %get3A_429 = arith.constant 64 : index
      %get3A_430 = tpu.vector_load %arg7[%get3A_428, %get3A_429] {strides = array<i32>} : memref<16x128xf32, #tpu.memory_space<vmem>>, vector<1x16xf32>,
      %get3A_431 = vector.shape_cast %get3A_430 : vector<1x16xf32> to vector<16xf32>
      %add3A_432 = arith.addf %add3A_426, %get3A_431 : vector<16xf32>
      %get3A_433 = arith.constant 4 : i32
      %get3A_434 = arith.index_cast %get3A_433 : i32 to index
      %get3A_435 = arith.constant 64 : index
      %get3A_436 = tpu.vector_load %arg7[%get3A_434, %get3A_435] {strides = array<i32>} : memref<16x128xf32, #tpu.memory_space<vmem>>, vector<1x16xf32>,
      %get3A_437 = vector.shape_cast %get3A_436 : vector<1x16xf32> to vector<16xf32>
      %add3A_438 = arith.addf %add3A_432, %get3A_437 : vector<16xf32>
      %get3A_439 = arith.constant 5 : i32
      %get3A_440 = arith.index_cast %get3A_439 : i32 to index
      %get3A_441 = arith.constant 64 : index
      %get3A_442 = tpu.vector_load %arg7[%get3A_440, %get3A_441] {strides = array<i32>} : memref<16x128xf32, #tpu.memory_space<vmem>>, vector<1x16xf32>,
      %get3A_443 = vector.shape_cast %get3A_442 : vector<1x16xf32> to vector<16xf32>
      %add3A_444 = arith.addf %add3A_438, %get3A_443 : vector<16xf32>
      %get3A_445 = arith.constant 6 : i32
      %get3A_446 = arith.index_cast %get3A_445 : i32 to index
      %get3A_447 = arith.constant 64 : index
      %get3A_448 = tpu.vector_load %arg7[%get3A_446, %get3A_447] {strides = array<i32>} : memref<16x128xf32, #tpu.memory_space<vmem>>, vector<1x16xf32>,
      %get3A_449 = vector.shape_cast %get3A_448 : vector<1x16xf32> to vector<16xf32>
      %add3A_450 = arith.addf %add3A_444, %get3A_449 : vector<16xf32>
      %get3A_451 = arith.constant 7 : i32
      %get3A_452 = arith.index_cast %get3A_451 : i32 to index
      %get3A_453 = arith.constant 64 : index
      %get3A_454 = tpu.vector_load %arg7[%get3A_452, %get3A_453] {strides = array<i32>} : memref<16x128xf32, #tpu.memory_space<vmem>>, vector<1x16xf32>,
      %get3A_455 = vector.shape_cast %get3A_454 : vector<1x16xf32> to vector<16xf32>
      %add3A_456 = arith.addf %add3A_450, %get3A_455 : vector<16xf32>
      %get3A_457 = arith.constant 8 : i32
      %get3A_458 = arith.index_cast %get3A_457 : i32 to index
      %get3A_459 = arith.constant 64 : index
      %get3A_460 = tpu.vector_load %arg7[%get3A_458, %get3A_459] {strides = array<i32>} : memref<16x128xf32, #tpu.memory_space<vmem>>, vector<1x16xf32>,
      %get3A_461 = vector.shape_cast %get3A_460 : vector<1x16xf32> to vector<16xf32>
      %add3A_462 = arith.addf %add3A_456, %get3A_461 : vector<16xf32>
      %get3A_463 = arith.constant 9 : i32
      %get3A_464 = arith.index_cast %get3A_463 : i32 to index
      %get3A_465 = arith.constant 64 : index
      %get3A_466 = tpu.vector_load %arg7[%get3A_464, %get3A_465] {strides = array<i32>} : memref<16x128xf32, #tpu.memory_space<vmem>>, vector<1x16xf32>,
      %get3A_467 = vector.shape_cast %get3A_466 : vector<1x16xf32> to vector<16xf32>
      %add3A_468 = arith.addf %add3A_462, %get3A_467 : vector<16xf32>
      %get3A_469 = arith.constant 10 : i32
      %get3A_470 = arith.index_cast %get3A_469 : i32 to index
      %get3A_471 = arith.constant 64 : index
      %get3A_472 = tpu.vector_load %arg7[%get3A_470, %get3A_471] {strides = array<i32>} : memref<16x128xf32, #tpu.memory_space<vmem>>, vector<1x16xf32>,
      %get3A_473 = vector.shape_cast %get3A_472 : vector<1x16xf32> to vector<16xf32>
      %add3A_474 = arith.addf %add3A_468, %get3A_473 : vector<16xf32>
      %get3A_475 = arith.constant 11 : i32
      %get3A_476 = arith.index_cast %get3A_475 : i32 to index
      %get3A_477 = arith.constant 64 : index
      %get3A_478 = tpu.vector_load %arg7[%get3A_476, %get3A_477] {strides = array<i32>} : memref<16x128xf32, #tpu.memory_space<vmem>>, vector<1x16xf32>,
      %get3A_479 = vector.shape_cast %get3A_478 : vector<1x16xf32> to vector<16xf32>
      %add3A_480 = arith.addf %add3A_474, %get3A_479 : vector<16xf32>
      %get3A_481 = arith.constant 12 : i32
      %get3A_482 = arith.index_cast %get3A_481 : i32 to index
      %get3A_483 = arith.constant 64 : index
      %get3A_484 = tpu.vector_load %arg7[%get3A_482, %get3A_483] {strides = array<i32>} : memref<16x128xf32, #tpu.memory_space<vmem>>, vector<1x16xf32>,
      %get3A_485 = vector.shape_cast %get3A_484 : vector<1x16xf32> to vector<16xf32>
      %add3A_486 = arith.addf %add3A_480, %get3A_485 : vector<16xf32>
      %get3A_487 = arith.constant 13 : i32
      %get3A_488 = arith.index_cast %get3A_487 : i32 to index
      %get3A_489 = arith.constant 64 : index
      %get3A_490 = tpu.vector_load %arg7[%get3A_488, %get3A_489] {strides = array<i32>} : memref<16x128xf32, #tpu.memory_space<vmem>>, vector<1x16xf32>,
      %get3A_491 = vector.shape_cast %get3A_490 : vector<1x16xf32> to vector<16xf32>
      %add3A_492 = arith.addf %add3A_486, %get3A_491 : vector<16xf32>
      %get3A_493 = arith.constant 14 : i32
      %get3A_494 = arith.index_cast %get3A_493 : i32 to index
      %get3A_495 = arith.constant 64 : index
      %get3A_496 = tpu.vector_load %arg7[%get3A_494, %get3A_495] {strides = array<i32>} : memref<16x128xf32, #tpu.memory_space<vmem>>, vector<1x16xf32>,
      %get3A_497 = vector.shape_cast %get3A_496 : vector<1x16xf32> to vector<16xf32>
      %add3A_498 = arith.addf %add3A_492, %get3A_497 : vector<16xf32>
      %get3A_499 = arith.constant 15 : i32
      %get3A_500 = arith.index_cast %get3A_499 : i32 to index
      %get3A_501 = arith.constant 64 : index
      %get3A_502 = tpu.vector_load %arg7[%get3A_500, %get3A_501] {strides = array<i32>} : memref<16x128xf32, #tpu.memory_space<vmem>>, vector<1x16xf32>,
      %get3A_503 = vector.shape_cast %get3A_502 : vector<1x16xf32> to vector<16xf32>
      %add3A_504 = arith.addf %add3A_498, %get3A_503 : vector<16xf32>
      %swap3A_505 = arith.constant 64 : index
      %swap3A_506 = tpu.vector_load %arg8[%swap3A_505] {strides = array<i32>} : memref<128xf32, #tpu.memory_space<vmem>>, vector<16xf32>,
      %swap3A_507 = vector.shape_cast %swap3A_506 : vector<16xf32> to vector<16xf32>
      %swap3A_508 = vector.shape_cast %add3A_504 : vector<16xf32> to vector<16xf32>
      tpu.vector_store %arg8[%swap3A_505], %swap3A_508 {strides = array<i32>} : memref<128xf32, #tpu.memory_space<vmem>>, vector<16xf32>,
      %get3A_509 = arith.constant 0 : i32
      %get3A_510 = arith.index_cast %get3A_509 : i32 to index
      %get3A_511 = arith.constant 80 : index
      %get3A_512 = tpu.vector_load %arg7[%get3A_510, %get3A_511] {strides = array<i32>} : memref<16x128xf32, #tpu.memory_space<vmem>>, vector<1x16xf32>,
      %get3A_513 = vector.shape_cast %get3A_512 : vector<1x16xf32> to vector<16xf32>
      %get3A_514 = arith.constant 1 : i32
      %get3A_515 = arith.index_cast %get3A_514 : i32 to index
      %get3A_516 = arith.constant 80 : index
      %get3A_517 = tpu.vector_load %arg7[%get3A_515, %get3A_516] {strides = array<i32>} : memref<16x128xf32, #tpu.memory_space<vmem>>, vector<1x16xf32>,
      %get3A_518 = vector.shape_cast %get3A_517 : vector<1x16xf32> to vector<16xf32>
      %add3A_519 = arith.addf %get3A_513, %get3A_518 : vector<16xf32>
      %get3A_520 = arith.constant 2 : i32
      %get3A_521 = arith.index_cast %get3A_520 : i32 to index
      %get3A_522 = arith.constant 80 : index
      %get3A_523 = tpu.vector_load %arg7[%get3A_521, %get3A_522] {strides = array<i32>} : memref<16x128xf32, #tpu.memory_space<vmem>>, vector<1x16xf32>,
      %get3A_524 = vector.shape_cast %get3A_523 : vector<1x16xf32> to vector<16xf32>
      %add3A_525 = arith.addf %add3A_519, %get3A_524 : vector<16xf32>
      %get3A_526 = arith.constant 3 : i32
      %get3A_527 = arith.index_cast %get3A_526 : i32 to index
      %get3A_528 = arith.constant 80 : index
      %get3A_529 = tpu.vector_load %arg7[%get3A_527, %get3A_528] {strides = array<i32>} : memref<16x128xf32, #tpu.memory_space<vmem>>, vector<1x16xf32>,
      %get3A_530 = vector.shape_cast %get3A_529 : vector<1x16xf32> to vector<16xf32>
      %add3A_531 = arith.addf %add3A_525, %get3A_530 : vector<16xf32>
      %get3A_532 = arith.constant 4 : i32
      %get3A_533 = arith.index_cast %get3A_532 : i32 to index
      %get3A_534 = arith.constant 80 : index
      %get3A_535 = tpu.vector_load %arg7[%get3A_533, %get3A_534] {strides = array<i32>} : memref<16x128xf32, #tpu.memory_space<vmem>>, vector<1x16xf32>,
      %get3A_536 = vector.shape_cast %get3A_535 : vector<1x16xf32> to vector<16xf32>
      %add3A_537 = arith.addf %add3A_531, %get3A_536 : vector<16xf32>
      %get3A_538 = arith.constant 5 : i32
      %get3A_539 = arith.index_cast %get3A_538 : i32 to index
      %get3A_540 = arith.constant 80 : index
      %get3A_541 = tpu.vector_load %arg7[%get3A_539, %get3A_540] {strides = array<i32>} : memref<16x128xf32, #tpu.memory_space<vmem>>, vector<1x16xf32>,
      %get3A_542 = vector.shape_cast %get3A_541 : vector<1x16xf32> to vector<16xf32>
      %add3A_543 = arith.addf %add3A_537, %get3A_542 : vector<16xf32>
      %get3A_544 = arith.constant 6 : i32
      %get3A_545 = arith.index_cast %get3A_544 : i32 to index
      %get3A_546 = arith.constant 80 : index
      %get3A_547 = tpu.vector_load %arg7[%get3A_545, %get3A_546] {strides = array<i32>} : memref<16x128xf32, #tpu.memory_space<vmem>>, vector<1x16xf32>,
      %get3A_548 = vector.shape_cast %get3A_547 : vector<1x16xf32> to vector<16xf32>
      %add3A_549 = arith.addf %add3A_543, %get3A_548 : vector<16xf32>
      %get3A_550 = arith.constant 7 : i32
      %get3A_551 = arith.index_cast %get3A_550 : i32 to index
      %get3A_552 = arith.constant 80 : index
      %get3A_553 = tpu.vector_load %arg7[%get3A_551, %get3A_552] {strides = array<i32>} : memref<16x128xf32, #tpu.memory_space<vmem>>, vector<1x16xf32>,
      %get3A_554 = vector.shape_cast %get3A_553 : vector<1x16xf32> to vector<16xf32>
      %add3A_555 = arith.addf %add3A_549, %get3A_554 : vector<16xf32>
      %get3A_556 = arith.constant 8 : i32
      %get3A_557 = arith.index_cast %get3A_556 : i32 to index
      %get3A_558 = arith.constant 80 : index
      %get3A_559 = tpu.vector_load %arg7[%get3A_557, %get3A_558] {strides = array<i32>} : memref<16x128xf32, #tpu.memory_space<vmem>>, vector<1x16xf32>,
      %get3A_560 = vector.shape_cast %get3A_559 : vector<1x16xf32> to vector<16xf32>
      %add3A_561 = arith.addf %add3A_555, %get3A_560 : vector<16xf32>
      %get3A_562 = arith.constant 9 : i32
      %get3A_563 = arith.index_cast %get3A_562 : i32 to index
      %get3A_564 = arith.constant 80 : index
      %get3A_565 = tpu.vector_load %arg7[%get3A_563, %get3A_564] {strides = array<i32>} : memref<16x128xf32, #tpu.memory_space<vmem>>, vector<1x16xf32>,
      %get3A_566 = vector.shape_cast %get3A_565 : vector<1x16xf32> to vector<16xf32>
      %add3A_567 = arith.addf %add3A_561, %get3A_566 : vector<16xf32>
      %get3A_568 = arith.constant 10 : i32
      %get3A_569 = arith.index_cast %get3A_568 : i32 to index
      %get3A_570 = arith.constant 80 : index
      %get3A_571 = tpu.vector_load %arg7[%get3A_569, %get3A_570] {strides = array<i32>} : memref<16x128xf32, #tpu.memory_space<vmem>>, vector<1x16xf32>,
      %get3A_572 = vector.shape_cast %get3A_571 : vector<1x16xf32> to vector<16xf32>
      %add3A_573 = arith.addf %add3A_567, %get3A_572 : vector<16xf32>
      %get3A_574 = arith.constant 11 : i32
      %get3A_575 = arith.index_cast %get3A_574 : i32 to index
      %get3A_576 = arith.constant 80 : index
      %get3A_577 = tpu.vector_load %arg7[%get3A_575, %get3A_576] {strides = array<i32>} : memref<16x128xf32, #tpu.memory_space<vmem>>, vector<1x16xf32>,
      %get3A_578 = vector.shape_cast %get3A_577 : vector<1x16xf32> to vector<16xf32>
      %add3A_579 = arith.addf %add3A_573, %get3A_578 : vector<16xf32>
      %get3A_580 = arith.constant 12 : i32
      %get3A_581 = arith.index_cast %get3A_580 : i32 to index
      %get3A_582 = arith.constant 80 : index
      %get3A_583 = tpu.vector_load %arg7[%get3A_581, %get3A_582] {strides = array<i32>} : memref<16x128xf32, #tpu.memory_space<vmem>>, vector<1x16xf32>,
      %get3A_584 = vector.shape_cast %get3A_583 : vector<1x16xf32> to vector<16xf32>
      %add3A_585 = arith.addf %add3A_579, %get3A_584 : vector<16xf32>
      %get3A_586 = arith.constant 13 : i32
      %get3A_587 = arith.index_cast %get3A_586 : i32 to index
      %get3A_588 = arith.constant 80 : index
      %get3A_589 = tpu.vector_load %arg7[%get3A_587, %get3A_588] {strides = array<i32>} : memref<16x128xf32, #tpu.memory_space<vmem>>, vector<1x16xf32>,
      %get3A_590 = vector.shape_cast %get3A_589 : vector<1x16xf32> to vector<16xf32>
      %add3A_591 = arith.addf %add3A_585, %get3A_590 : vector<16xf32>
      %get3A_592 = arith.constant 14 : i32
      %get3A_593 = arith.index_cast %get3A_592 : i32 to index
      %get3A_594 = arith.constant 80 : index
      %get3A_595 = tpu.vector_load %arg7[%get3A_593, %get3A_594] {strides = array<i32>} : memref<16x128xf32, #tpu.memory_space<vmem>>, vector<1x16xf32>,
      %get3A_596 = vector.shape_cast %get3A_595 : vector<1x16xf32> to vector<16xf32>
      %add3A_597 = arith.addf %add3A_591, %get3A_596 : vector<16xf32>
      %get3A_598 = arith.constant 15 : i32
      %get3A_599 = arith.index_cast %get3A_598 : i32 to index
      %get3A_600 = arith.constant 80 : index
      %get3A_601 = tpu.vector_load %arg7[%get3A_599, %get3A_600] {strides = array<i32>} : memref<16x128xf32, #tpu.memory_space<vmem>>, vector<1x16xf32>,
      %get3A_602 = vector.shape_cast %get3A_601 : vector<1x16xf32> to vector<16xf32>
      %add3A_603 = arith.addf %add3A_597, %get3A_602 : vector<16xf32>
      %swap3A_604 = arith.constant 80 : index
      %swap3A_605 = tpu.vector_load %arg8[%swap3A_604] {strides = array<i32>} : memref<128xf32, #tpu.memory_space<vmem>>, vector<16xf32>,
      %swap3A_606 = vector.shape_cast %swap3A_605 : vector<16xf32> to vector<16xf32>
      %swap3A_607 = vector.shape_cast %add3A_603 : vector<16xf32> to vector<16xf32>
      tpu.vector_store %arg8[%swap3A_604], %swap3A_607 {strides = array<i32>} : memref<128xf32, #tpu.memory_space<vmem>>, vector<16xf32>,
      %get3A_608 = arith.constant 0 : i32
      %get3A_609 = arith.index_cast %get3A_608 : i32 to index
      %get3A_610 = arith.constant 96 : index
      %get3A_611 = tpu.vector_load %arg7[%get3A_609, %get3A_610] {strides = array<i32>} : memref<16x128xf32, #tpu.memory_space<vmem>>, vector<1x16xf32>,
      %get3A_612 = vector.shape_cast %get3A_611 : vector<1x16xf32> to vector<16xf32>
      %get3A_613 = arith.constant 1 : i32
      %get3A_614 = arith.index_cast %get3A_613 : i32 to index
      %get3A_615 = arith.constant 96 : index
      %get3A_616 = tpu.vector_load %arg7[%get3A_614, %get3A_615] {strides = array<i32>} : memref<16x128xf32, #tpu.memory_space<vmem>>, vector<1x16xf32>,
      %get3A_617 = vector.shape_cast %get3A_616 : vector<1x16xf32> to vector<16xf32>
      %add3A_618 = arith.addf %get3A_612, %get3A_617 : vector<16xf32>
      %get3A_619 = arith.constant 2 : i32
      %get3A_620 = arith.index_cast %get3A_619 : i32 to index
      %get3A_621 = arith.constant 96 : index
      %get3A_622 = tpu.vector_load %arg7[%get3A_620, %get3A_621] {strides = array<i32>} : memref<16x128xf32, #tpu.memory_space<vmem>>, vector<1x16xf32>,
      %get3A_623 = vector.shape_cast %get3A_622 : vector<1x16xf32> to vector<16xf32>
      %add3A_624 = arith.addf %add3A_618, %get3A_623 : vector<16xf32>
      %get3A_625 = arith.constant 3 : i32
      %get3A_626 = arith.index_cast %get3A_625 : i32 to index
      %get3A_627 = arith.constant 96 : index
      %get3A_628 = tpu.vector_load %arg7[%get3A_626, %get3A_627] {strides = array<i32>} : memref<16x128xf32, #tpu.memory_space<vmem>>, vector<1x16xf32>,
      %get3A_629 = vector.shape_cast %get3A_628 : vector<1x16xf32> to vector<16xf32>
      %add3A_630 = arith.addf %add3A_624, %get3A_629 : vector<16xf32>
      %get3A_631 = arith.constant 4 : i32
      %get3A_632 = arith.index_cast %get3A_631 : i32 to index
      %get3A_633 = arith.constant 96 : index
      %get3A_634 = tpu.vector_load %arg7[%get3A_632, %get3A_633] {strides = array<i32>} : memref<16x128xf32, #tpu.memory_space<vmem>>, vector<1x16xf32>,
      %get3A_635 = vector.shape_cast %get3A_634 : vector<1x16xf32> to vector<16xf32>
      %add3A_636 = arith.addf %add3A_630, %get3A_635 : vector<16xf32>
      %get3A_637 = arith.constant 5 : i32
      %get3A_638 = arith.index_cast %get3A_637 : i32 to index
      %get3A_639 = arith.constant 96 : index
      %get3A_640 = tpu.vector_load %arg7[%get3A_638, %get3A_639] {strides = array<i32>} : memref<16x128xf32, #tpu.memory_space<vmem>>, vector<1x16xf32>,
      %get3A_641 = vector.shape_cast %get3A_640 : vector<1x16xf32> to vector<16xf32>
      %add3A_642 = arith.addf %add3A_636, %get3A_641 : vector<16xf32>
      %get3A_643 = arith.constant 6 : i32
      %get3A_644 = arith.index_cast %get3A_643 : i32 to index
      %get3A_645 = arith.constant 96 : index
      %get3A_646 = tpu.vector_load %arg7[%get3A_644, %get3A_645] {strides = array<i32>} : memref<16x128xf32, #tpu.memory_space<vmem>>, vector<1x16xf32>,
      %get3A_647 = vector.shape_cast %get3A_646 : vector<1x16xf32> to vector<16xf32>
      %add3A_648 = arith.addf %add3A_642, %get3A_647 : vector<16xf32>
      %get3A_649 = arith.constant 7 : i32
      %get3A_650 = arith.index_cast %get3A_649 : i32 to index
      %get3A_651 = arith.constant 96 : index
      %get3A_652 = tpu.vector_load %arg7[%get3A_650, %get3A_651] {strides = array<i32>} : memref<16x128xf32, #tpu.memory_space<vmem>>, vector<1x16xf32>,
      %get3A_653 = vector.shape_cast %get3A_652 : vector<1x16xf32> to vector<16xf32>
      %add3A_654 = arith.addf %add3A_648, %get3A_653 : vector<16xf32>
      %get3A_655 = arith.constant 8 : i32
      %get3A_656 = arith.index_cast %get3A_655 : i32 to index
      %get3A_657 = arith.constant 96 : index
      %get3A_658 = tpu.vector_load %arg7[%get3A_656, %get3A_657] {strides = array<i32>} : memref<16x128xf32, #tpu.memory_space<vmem>>, vector<1x16xf32>,
      %get3A_659 = vector.shape_cast %get3A_658 : vector<1x16xf32> to vector<16xf32>
      %add3A_660 = arith.addf %add3A_654, %get3A_659 : vector<16xf32>
      %get3A_661 = arith.constant 9 : i32
      %get3A_662 = arith.index_cast %get3A_661 : i32 to index
      %get3A_663 = arith.constant 96 : index
      %get3A_664 = tpu.vector_load %arg7[%get3A_662, %get3A_663] {strides = array<i32>} : memref<16x128xf32, #tpu.memory_space<vmem>>, vector<1x16xf32>,
      %get3A_665 = vector.shape_cast %get3A_664 : vector<1x16xf32> to vector<16xf32>
      %add3A_666 = arith.addf %add3A_660, %get3A_665 : vector<16xf32>
      %get3A_667 = arith.constant 10 : i32
      %get3A_668 = arith.index_cast %get3A_667 : i32 to index
      %get3A_669 = arith.constant 96 : index
      %get3A_670 = tpu.vector_load %arg7[%get3A_668, %get3A_669] {strides = array<i32>} : memref<16x128xf32, #tpu.memory_space<vmem>>, vector<1x16xf32>,
      %get3A_671 = vector.shape_cast %get3A_670 : vector<1x16xf32> to vector<16xf32>
      %add3A_672 = arith.addf %add3A_666, %get3A_671 : vector<16xf32>
      %get3A_673 = arith.constant 11 : i32
      %get3A_674 = arith.index_cast %get3A_673 : i32 to index
      %get3A_675 = arith.constant 96 : index
      %get3A_676 = tpu.vector_load %arg7[%get3A_674, %get3A_675] {strides = array<i32>} : memref<16x128xf32, #tpu.memory_space<vmem>>, vector<1x16xf32>,
      %get3A_677 = vector.shape_cast %get3A_676 : vector<1x16xf32> to vector<16xf32>
      %add3A_678 = arith.addf %add3A_672, %get3A_677 : vector<16xf32>
      %get3A_679 = arith.constant 12 : i32
      %get3A_680 = arith.index_cast %get3A_679 : i32 to index
      %get3A_681 = arith.constant 96 : index
      %get3A_682 = tpu.vector_load %arg7[%get3A_680, %get3A_681] {strides = array<i32>} : memref<16x128xf32, #tpu.memory_space<vmem>>, vector<1x16xf32>,
      %get3A_683 = vector.shape_cast %get3A_682 : vector<1x16xf32> to vector<16xf32>
      %add3A_684 = arith.addf %add3A_678, %get3A_683 : vector<16xf32>
      %get3A_685 = arith.constant 13 : i32
      %get3A_686 = arith.index_cast %get3A_685 : i32 to index
      %get3A_687 = arith.constant 96 : index
      %get3A_688 = tpu.vector_load %arg7[%get3A_686, %get3A_687] {strides = array<i32>} : memref<16x128xf32, #tpu.memory_space<vmem>>, vector<1x16xf32>,
      %get3A_689 = vector.shape_cast %get3A_688 : vector<1x16xf32> to vector<16xf32>
      %add3A_690 = arith.addf %add3A_684, %get3A_689 : vector<16xf32>
      %get3A_691 = arith.constant 14 : i32
      %get3A_692 = arith.index_cast %get3A_691 : i32 to index
      %get3A_693 = arith.constant 96 : index
      %get3A_694 = tpu.vector_load %arg7[%get3A_692, %get3A_693] {strides = array<i32>} : memref<16x128xf32, #tpu.memory_space<vmem>>, vector<1x16xf32>,
      %get3A_695 = vector.shape_cast %get3A_694 : vector<1x16xf32> to vector<16xf32>
      %add3A_696 = arith.addf %add3A_690, %get3A_695 : vector<16xf32>
      %get3A_697 = arith.constant 15 : i32
      %get3A_698 = arith.index_cast %get3A_697 : i32 to index
      %get3A_699 = arith.constant 96 : index
      %get3A_700 = tpu.vector_load %arg7[%get3A_698, %get3A_699] {strides = array<i32>} : memref<16x128xf32, #tpu.memory_space<vmem>>, vector<1x16xf32>,
      %get3A_701 = vector.shape_cast %get3A_700 : vector<1x16xf32> to vector<16xf32>
      %add3A_702 = arith.addf %add3A_696, %get3A_701 : vector<16xf32>
      %swap3A_703 = arith.constant 96 : index
      %swap3A_704 = tpu.vector_load %arg8[%swap3A_703] {strides = array<i32>} : memref<128xf32, #tpu.memory_space<vmem>>, vector<16xf32>,
      %swap3A_705 = vector.shape_cast %swap3A_704 : vector<16xf32> to vector<16xf32>
      %swap3A_706 = vector.shape_cast %add3A_702 : vector<16xf32> to vector<16xf32>
      tpu.vector_store %arg8[%swap3A_703], %swap3A_706 {strides = array<i32>} : memref<128xf32, #tpu.memory_space<vmem>>, vector<16xf32>,
      %get3A_707 = arith.constant 0 : i32
      %get3A_708 = arith.index_cast %get3A_707 : i32 to index
      %get3A_709 = arith.constant 112 : index
      %get3A_710 = tpu.vector_load %arg7[%get3A_708, %get3A_709] {strides = array<i32>} : memref<16x128xf32, #tpu.memory_space<vmem>>, vector<1x16xf32>,
      %get3A_711 = vector.shape_cast %get3A_710 : vector<1x16xf32> to vector<16xf32>
      %get3A_712 = arith.constant 1 : i32
      %get3A_713 = arith.index_cast %get3A_712 : i32 to index
      %get3A_714 = arith.constant 112 : index
      %get3A_715 = tpu.vector_load %arg7[%get3A_713, %get3A_714] {strides = array<i32>} : memref<16x128xf32, #tpu.memory_space<vmem>>, vector<1x16xf32>,
      %get3A_716 = vector.shape_cast %get3A_715 : vector<1x16xf32> to vector<16xf32>
      %add3A_717 = arith.addf %get3A_711, %get3A_716 : vector<16xf32>
      %get3A_718 = arith.constant 2 : i32
      %get3A_719 = arith.index_cast %get3A_718 : i32 to index
      %get3A_720 = arith.constant 112 : index
      %get3A_721 = tpu.vector_load %arg7[%get3A_719, %get3A_720] {strides = array<i32>} : memref<16x128xf32, #tpu.memory_space<vmem>>, vector<1x16xf32>,
      %get3A_722 = vector.shape_cast %get3A_721 : vector<1x16xf32> to vector<16xf32>
      %add3A_723 = arith.addf %add3A_717, %get3A_722 : vector<16xf32>
      %get3A_724 = arith.constant 3 : i32
      %get3A_725 = arith.index_cast %get3A_724 : i32 to index
      %get3A_726 = arith.constant 112 : index
      %get3A_727 = tpu.vector_load %arg7[%get3A_725, %get3A_726] {strides = array<i32>} : memref<16x128xf32, #tpu.memory_space<vmem>>, vector<1x16xf32>,
      %get3A_728 = vector.shape_cast %get3A_727 : vector<1x16xf32> to vector<16xf32>
      %add3A_729 = arith.addf %add3A_723, %get3A_728 : vector<16xf32>
      %get3A_730 = arith.constant 4 : i32
      %get3A_731 = arith.index_cast %get3A_730 : i32 to index
      %get3A_732 = arith.constant 112 : index
      %get3A_733 = tpu.vector_load %arg7[%get3A_731, %get3A_732] {strides = array<i32>} : memref<16x128xf32, #tpu.memory_space<vmem>>, vector<1x16xf32>,
      %get3A_734 = vector.shape_cast %get3A_733 : vector<1x16xf32> to vector<16xf32>
      %add3A_735 = arith.addf %add3A_729, %get3A_734 : vector<16xf32>
      %get3A_736 = arith.constant 5 : i32
      %get3A_737 = arith.index_cast %get3A_736 : i32 to index
      %get3A_738 = arith.constant 112 : index
      %get3A_739 = tpu.vector_load %arg7[%get3A_737, %get3A_738] {strides = array<i32>} : memref<16x128xf32, #tpu.memory_space<vmem>>, vector<1x16xf32>,
      %get3A_740 = vector.shape_cast %get3A_739 : vector<1x16xf32> to vector<16xf32>
      %add3A_741 = arith.addf %add3A_735, %get3A_740 : vector<16xf32>
      %get3A_742 = arith.constant 6 : i32
      %get3A_743 = arith.index_cast %get3A_742 : i32 to index
      %get3A_744 = arith.constant 112 : index
      %get3A_745 = tpu.vector_load %arg7[%get3A_743, %get3A_744] {strides = array<i32>} : memref<16x128xf32, #tpu.memory_space<vmem>>, vector<1x16xf32>,
      %get3A_746 = vector.shape_cast %get3A_745 : vector<1x16xf32> to vector<16xf32>
      %add3A_747 = arith.addf %add3A_741, %get3A_746 : vector<16xf32>
      %get3A_748 = arith.constant 7 : i32
      %get3A_749 = arith.index_cast %get3A_748 : i32 to index
      %get3A_750 = arith.constant 112 : index
      %get3A_751 = tpu.vector_load %arg7[%get3A_749, %get3A_750] {strides = array<i32>} : memref<16x128xf32, #tpu.memory_space<vmem>>, vector<1x16xf32>,
      %get3A_752 = vector.shape_cast %get3A_751 : vector<1x16xf32> to vector<16xf32>
      %add3A_753 = arith.addf %add3A_747, %get3A_752 : vector<16xf32>
      %get3A_754 = arith.constant 8 : i32
      %get3A_755 = arith.index_cast %get3A_754 : i32 to index
      %get3A_756 = arith.constant 112 : index
      %get3A_757 = tpu.vector_load %arg7[%get3A_755, %get3A_756] {strides = array<i32>} : memref<16x128xf32, #tpu.memory_space<vmem>>, vector<1x16xf32>,
      %get3A_758 = vector.shape_cast %get3A_757 : vector<1x16xf32> to vector<16xf32>
      %add3A_759 = arith.addf %add3A_753, %get3A_758 : vector<16xf32>
      %get3A_760 = arith.constant 9 : i32
      %get3A_761 = arith.index_cast %get3A_760 : i32 to index
      %get3A_762 = arith.constant 112 : index
      %get3A_763 = tpu.vector_load %arg7[%get3A_761, %get3A_762] {strides = array<i32>} : memref<16x128xf32, #tpu.memory_space<vmem>>, vector<1x16xf32>,
      %get3A_764 = vector.shape_cast %get3A_763 : vector<1x16xf32> to vector<16xf32>
      %add3A_765 = arith.addf %add3A_759, %get3A_764 : vector<16xf32>
      %get3A_766 = arith.constant 10 : i32
      %get3A_767 = arith.index_cast %get3A_766 : i32 to index
      %get3A_768 = arith.constant 112 : index
      %get3A_769 = tpu.vector_load %arg7[%get3A_767, %get3A_768] {strides = array<i32>} : memref<16x128xf32, #tpu.memory_space<vmem>>, vector<1x16xf32>,
      %get3A_770 = vector.shape_cast %get3A_769 : vector<1x16xf32> to vector<16xf32>
      %add3A_771 = arith.addf %add3A_765, %get3A_770 : vector<16xf32>
      %get3A_772 = arith.constant 11 : i32
      %get3A_773 = arith.index_cast %get3A_772 : i32 to index
      %get3A_774 = arith.constant 112 : index
      %get3A_775 = tpu.vector_load %arg7[%get3A_773, %get3A_774] {strides = array<i32>} : memref<16x128xf32, #tpu.memory_space<vmem>>, vector<1x16xf32>,
      %get3A_776 = vector.shape_cast %get3A_775 : vector<1x16xf32> to vector<16xf32>
      %add3A_777 = arith.addf %add3A_771, %get3A_776 : vector<16xf32>
      %get3A_778 = arith.constant 12 : i32
      %get3A_779 = arith.index_cast %get3A_778 : i32 to index
      %get3A_780 = arith.constant 112 : index
      %get3A_781 = tpu.vector_load %arg7[%get3A_779, %get3A_780] {strides = array<i32>} : memref<16x128xf32, #tpu.memory_space<vmem>>, vector<1x16xf32>,
      %get3A_782 = vector.shape_cast %get3A_781 : vector<1x16xf32> to vector<16xf32>
      %add3A_783 = arith.addf %add3A_777, %get3A_782 : vector<16xf32>
      %get3A_784 = arith.constant 13 : i32
      %get3A_785 = arith.index_cast %get3A_784 : i32 to index
      %get3A_786 = arith.constant 112 : index
      %get3A_787 = tpu.vector_load %arg7[%get3A_785, %get3A_786] {strides = array<i32>} : memref<16x128xf32, #tpu.memory_space<vmem>>, vector<1x16xf32>,
      %get3A_788 = vector.shape_cast %get3A_787 : vector<1x16xf32> to vector<16xf32>
      %add3A_789 = arith.addf %add3A_783, %get3A_788 : vector<16xf32>
      %get3A_790 = arith.constant 14 : i32
      %get3A_791 = arith.index_cast %get3A_790 : i32 to index
      %get3A_792 = arith.constant 112 : index
      %get3A_793 = tpu.vector_load %arg7[%get3A_791, %get3A_792] {strides = array<i32>} : memref<16x128xf32, #tpu.memory_space<vmem>>, vector<1x16xf32>,
      %get3A_794 = vector.shape_cast %get3A_793 : vector<1x16xf32> to vector<16xf32>
      %add3A_795 = arith.addf %add3A_789, %get3A_794 : vector<16xf32>
      %get3A_796 = arith.constant 15 : i32
      %get3A_797 = arith.index_cast %get3A_796 : i32 to index
      %get3A_798 = arith.constant 112 : index
      %get3A_799 = tpu.vector_load %arg7[%get3A_797, %get3A_798] {strides = array<i32>} : memref<16x128xf32, #tpu.memory_space<vmem>>, vector<1x16xf32>,
      %get3A_800 = vector.shape_cast %get3A_799 : vector<1x16xf32> to vector<16xf32>
      %add3A_801 = arith.addf %add3A_795, %get3A_800 : vector<16xf32>
      %swap3A_802 = arith.constant 112 : index
      %swap3A_803 = tpu.vector_load %arg8[%swap3A_802] {strides = array<i32>} : memref<128xf32, #tpu.memory_space<vmem>>, vector<16xf32>,
      %swap3A_804 = vector.shape_cast %swap3A_803 : vector<16xf32> to vector<16xf32>
      %swap3A_805 = vector.shape_cast %add3A_801 : vector<16xf32> to vector<16xf32>
      tpu.vector_store %arg8[%swap3A_802], %swap3A_805 {strides = array<i32>} : memref<128xf32, #tpu.memory_space<vmem>>, vector<16xf32>,
      "tpu.region"() ({
        %run_scoped3A = tpu.sem_alloc : memref<!tpu.dma_semaphore, #tpu.memory_space<semaphore_mem>>
        %dma_start3A_806 = arith.constant 0 : i32
        %dma_start3A_807 = tpu.memref_slice %arg4[%arg1, %dma_start3A_806] : memref<13x128xf32, #tpu.memory_space<hbm>> -> memref<1x128xf32, #tpu.memory_space<hbm>>
        %dma_start3A_808 = tpu.memref_squeeze %dma_start3A_807 : memref<1x128xf32, #tpu.memory_space<hbm>> -> memref<128xf32, #tpu.memory_space<hbm>>
        %dma_start3A_809 = arith.constant 0 : i32
        %dma_start3A_810 = tpu.memref_slice %arg4[%arg1, %dma_start3A_809] : memref<13x128xf32, #tpu.memory_space<hbm>> -> memref<1x128xf32, #tpu.memory_space<hbm>>
        %dma_start3A_811 = tpu.memref_squeeze %dma_start3A_810 : memref<1x128xf32, #tpu.memory_space<hbm>> -> memref<128xf32, #tpu.memory_space<hbm>>
        tpu.enqueue_dma source(%arg8 : memref<128xf32, #tpu.memory_space<vmem>>) target(%dma_start3A_811 : memref<128xf32, #tpu.memory_space<hbm>>) target_semaphore(%run_scoped3A : memref<!tpu.dma_semaphore, #tpu.memory_space<semaphore_mem>>)
        %dma_wait3A_812 = arith.constant 0 : i32
        %dma_wait3A_813 = tpu.memref_slice %arg4[%arg1, %dma_wait3A_812] : memref<13x128xf32, #tpu.memory_space<hbm>> -> memref<1x128xf32, #tpu.memory_space<hbm>>
        %dma_wait3A_814 = tpu.memref_squeeze %dma_wait3A_813 : memref<1x128xf32, #tpu.memory_space<hbm>> -> memref<128xf32, #tpu.memory_space<hbm>>
        %dma_wait3A_815 = arith.constant 0 : i32
        %dma_wait3A_816 = tpu.memref_slice %arg4[%arg1, %dma_wait3A_815] : memref<13x128xf32, #tpu.memory_space<hbm>> -> memref<1x128xf32, #tpu.memory_space<hbm>>
        %dma_wait3A_817 = tpu.memref_squeeze %dma_wait3A_816 : memref<1x128xf32, #tpu.memory_space<hbm>> -> memref<128xf32, #tpu.memory_space<hbm>>
        tpu.wait_dma2 semaphore(%run_scoped3A : memref<!tpu.dma_semaphore, #tpu.memory_space<semaphore_mem>>) src(%arg8 : memref<128xf32, #tpu.memory_space<vmem>>) dst(%dma_wait3A_817 : memref<128xf32, #tpu.memory_space<hbm>>)
        tpu.yield
      }) : () -> ()
    } else {
    }
    %eq3A = arith.constant 12 : i32
    %eq3A_2 = arith.cmpi eq, %arg1, %eq3A : i32
    %convert_element_type3A_3 = arith.extui %eq3A_2 : i1 to i32
    %cond3A_4 = arith.constant 0 : i32
    %cond3A_5 = arith.cmpi ne, %convert_element_type3A_3, %cond3A_4 : i32
    scf.if %cond3A_5 {
      %dma_start3A = arith.constant 192 : i32
      %dma_start3A_6 = tpu.memref_slice %arg2[%dma_start3A] : memref<200xi32, #tpu.memory_space<hbm>> -> memref<8xi32, #tpu.memory_space<hbm>>
      %dma_start3A_7 = arith.constant 192 : i32
      %dma_start3A_8 = tpu.memref_slice %arg2[%dma_start3A_7] : memref<200xi32, #tpu.memory_space<hbm>> -> memref<8xi32, #tpu.memory_space<hbm>>
      tpu.enqueue_dma source(%dma_start3A_8 : memref<8xi32, #tpu.memory_space<hbm>>) target(%arg6 : memref<8xi32, #tpu.memory_space<vmem>>) target_semaphore(%arg9 : memref<!tpu.dma_semaphore, #tpu.memory_space<semaphore_mem>>)
      %dma_wait3A = arith.constant 192 : i32
      %dma_wait3A_9 = tpu.memref_slice %arg2[%dma_wait3A] : memref<200xi32, #tpu.memory_space<hbm>> -> memref<8xi32, #tpu.memory_space<hbm>>
      %dma_wait3A_10 = arith.constant 192 : i32
      %dma_wait3A_11 = tpu.memref_slice %arg2[%dma_wait3A_10] : memref<200xi32, #tpu.memory_space<hbm>> -> memref<8xi32, #tpu.memory_space<hbm>>
      tpu.wait_dma2 semaphore(%arg9 : memref<!tpu.dma_semaphore, #tpu.memory_space<semaphore_mem>>) src(%dma_wait3A_11 : memref<8xi32, #tpu.memory_space<hbm>>) dst(%arg6 : memref<8xi32, #tpu.memory_space<vmem>>)
      %dma_start3A_12 = arith.constant 0 : i32
      %dma_start3A_13 = arith.constant 0 : i32
      %dma_start3A_14 = tpu.memref_slice %arg7[%dma_start3A_12, %dma_start3A_13] : memref<16x128xf32, #tpu.memory_space<vmem>> -> memref<8x128xf32, #tpu.memory_space<vmem>>
      %dma_start3A_15 = arith.constant 0 : i32
      %dma_start3A_16 = arith.constant 0 : i32
      %dma_start3A_17 = tpu.memref_slice %arg3[%dma_start3A_15, %dma_start3A_16] : memref<100000x128xf32, #tpu.memory_space<hbm>> -> memref<100000x128xf32, #tpu.memory_space<hbm>>
      tpu.enqueue_indirect_dma source(%dma_start3A_17 : memref<100000x128xf32, #tpu.memory_space<hbm>>) target(%dma_start3A_14 : memref<8x128xf32, #tpu.memory_space<vmem>>) offsets(%arg6 : memref<8xi32, #tpu.memory_space<vmem>>) semaphore(%arg10 : memref<!tpu.dma_semaphore, #tpu.memory_space<semaphore_mem>>)
      %dma_wait3A_18 = arith.constant 0 : i32
      %dma_wait3A_19 = arith.constant 0 : i32
      %dma_wait3A_20 = tpu.memref_slice %arg7[%dma_wait3A_18, %dma_wait3A_19] : memref<16x128xf32, #tpu.memory_space<vmem>> -> memref<8x128xf32, #tpu.memory_space<vmem>>
      %dma_wait3A_21 = arith.constant 0 : i32
      %dma_wait3A_22 = arith.constant 0 : i32
      %dma_wait3A_23 = tpu.memref_slice %arg3[%dma_wait3A_21, %dma_wait3A_22] : memref<100000x128xf32, #tpu.memory_space<hbm>> -> memref<100000x128xf32, #tpu.memory_space<hbm>>
      tpu.wait_indirect_dma semaphore(%arg10 : memref<!tpu.dma_semaphore, #tpu.memory_space<semaphore_mem>>) src(%dma_wait3A_23 : memref<100000x128xf32, #tpu.memory_space<hbm>>) dst(%dma_wait3A_20 : memref<8x128xf32, #tpu.memory_space<vmem>>)
      %get3A = arith.constant 0 : i32
      %get3A_24 = arith.index_cast %get3A : i32 to index
      %get3A_25 = arith.constant 0 : index
      %get3A_26 = tpu.vector_load %arg7[%get3A_24, %get3A_25] {strides = array<i32>} : memref<16x128xf32, #tpu.memory_space<vmem>>, vector<1x16xf32>,
      %get3A_27 = vector.shape_cast %get3A_26 : vector<1x16xf32> to vector<16xf32>
      %get3A_28 = arith.constant 1 : i32
      %get3A_29 = arith.index_cast %get3A_28 : i32 to index
      %get3A_30 = arith.constant 0 : index
      %get3A_31 = tpu.vector_load %arg7[%get3A_29, %get3A_30] {strides = array<i32>} : memref<16x128xf32, #tpu.memory_space<vmem>>, vector<1x16xf32>,
      %get3A_32 = vector.shape_cast %get3A_31 : vector<1x16xf32> to vector<16xf32>
      %add3A = arith.addf %get3A_27, %get3A_32 : vector<16xf32>
      %get3A_33 = arith.constant 2 : i32
      %get3A_34 = arith.index_cast %get3A_33 : i32 to index
      %get3A_35 = arith.constant 0 : index
      %get3A_36 = tpu.vector_load %arg7[%get3A_34, %get3A_35] {strides = array<i32>} : memref<16x128xf32, #tpu.memory_space<vmem>>, vector<1x16xf32>,
      %get3A_37 = vector.shape_cast %get3A_36 : vector<1x16xf32> to vector<16xf32>
      %add3A_38 = arith.addf %add3A, %get3A_37 : vector<16xf32>
      %get3A_39 = arith.constant 3 : i32
      %get3A_40 = arith.index_cast %get3A_39 : i32 to index
      %get3A_41 = arith.constant 0 : index
      %get3A_42 = tpu.vector_load %arg7[%get3A_40, %get3A_41] {strides = array<i32>} : memref<16x128xf32, #tpu.memory_space<vmem>>, vector<1x16xf32>,
      %get3A_43 = vector.shape_cast %get3A_42 : vector<1x16xf32> to vector<16xf32>
      %add3A_44 = arith.addf %add3A_38, %get3A_43 : vector<16xf32>
      %get3A_45 = arith.constant 4 : i32
      %get3A_46 = arith.index_cast %get3A_45 : i32 to index
      %get3A_47 = arith.constant 0 : index
      %get3A_48 = tpu.vector_load %arg7[%get3A_46, %get3A_47] {strides = array<i32>} : memref<16x128xf32, #tpu.memory_space<vmem>>, vector<1x16xf32>,
      %get3A_49 = vector.shape_cast %get3A_48 : vector<1x16xf32> to vector<16xf32>
      %add3A_50 = arith.addf %add3A_44, %get3A_49 : vector<16xf32>
      %get3A_51 = arith.constant 5 : i32
      %get3A_52 = arith.index_cast %get3A_51 : i32 to index
      %get3A_53 = arith.constant 0 : index
      %get3A_54 = tpu.vector_load %arg7[%get3A_52, %get3A_53] {strides = array<i32>} : memref<16x128xf32, #tpu.memory_space<vmem>>, vector<1x16xf32>,
      %get3A_55 = vector.shape_cast %get3A_54 : vector<1x16xf32> to vector<16xf32>
      %add3A_56 = arith.addf %add3A_50, %get3A_55 : vector<16xf32>
      %get3A_57 = arith.constant 6 : i32
      %get3A_58 = arith.index_cast %get3A_57 : i32 to index
      %get3A_59 = arith.constant 0 : index
      %get3A_60 = tpu.vector_load %arg7[%get3A_58, %get3A_59] {strides = array<i32>} : memref<16x128xf32, #tpu.memory_space<vmem>>, vector<1x16xf32>,
      %get3A_61 = vector.shape_cast %get3A_60 : vector<1x16xf32> to vector<16xf32>
      %add3A_62 = arith.addf %add3A_56, %get3A_61 : vector<16xf32>
      %get3A_63 = arith.constant 7 : i32
      %get3A_64 = arith.index_cast %get3A_63 : i32 to index
      %get3A_65 = arith.constant 0 : index
      %get3A_66 = tpu.vector_load %arg7[%get3A_64, %get3A_65] {strides = array<i32>} : memref<16x128xf32, #tpu.memory_space<vmem>>, vector<1x16xf32>,
      %get3A_67 = vector.shape_cast %get3A_66 : vector<1x16xf32> to vector<16xf32>
      %add3A_68 = arith.addf %add3A_62, %get3A_67 : vector<16xf32>
      %swap3A = arith.constant 0 : index
      %swap3A_69 = tpu.vector_load %arg8[%swap3A] {strides = array<i32>} : memref<128xf32, #tpu.memory_space<vmem>>, vector<16xf32>,
      %swap3A_70 = vector.shape_cast %swap3A_69 : vector<16xf32> to vector<16xf32>
      %swap3A_71 = vector.shape_cast %add3A_68 : vector<16xf32> to vector<16xf32>
      tpu.vector_store %arg8[%swap3A], %swap3A_71 {strides = array<i32>} : memref<128xf32, #tpu.memory_space<vmem>>, vector<16xf32>,
      %get3A_72 = arith.constant 0 : i32
      %get3A_73 = arith.index_cast %get3A_72 : i32 to index
      %get3A_74 = arith.constant 16 : index
      %get3A_75 = tpu.vector_load %arg7[%get3A_73, %get3A_74] {strides = array<i32>} : memref<16x128xf32, #tpu.memory_space<vmem>>, vector<1x16xf32>,
      %get3A_76 = vector.shape_cast %get3A_75 : vector<1x16xf32> to vector<16xf32>
      %get3A_77 = arith.constant 1 : i32
      %get3A_78 = arith.index_cast %get3A_77 : i32 to index
      %get3A_79 = arith.constant 16 : index
      %get3A_80 = tpu.vector_load %arg7[%get3A_78, %get3A_79] {strides = array<i32>} : memref<16x128xf32, #tpu.memory_space<vmem>>, vector<1x16xf32>,
      %get3A_81 = vector.shape_cast %get3A_80 : vector<1x16xf32> to vector<16xf32>
      %add3A_82 = arith.addf %get3A_76, %get3A_81 : vector<16xf32>
      %get3A_83 = arith.constant 2 : i32
      %get3A_84 = arith.index_cast %get3A_83 : i32 to index
      %get3A_85 = arith.constant 16 : index
      %get3A_86 = tpu.vector_load %arg7[%get3A_84, %get3A_85] {strides = array<i32>} : memref<16x128xf32, #tpu.memory_space<vmem>>, vector<1x16xf32>,
      %get3A_87 = vector.shape_cast %get3A_86 : vector<1x16xf32> to vector<16xf32>
      %add3A_88 = arith.addf %add3A_82, %get3A_87 : vector<16xf32>
      %get3A_89 = arith.constant 3 : i32
      %get3A_90 = arith.index_cast %get3A_89 : i32 to index
      %get3A_91 = arith.constant 16 : index
      %get3A_92 = tpu.vector_load %arg7[%get3A_90, %get3A_91] {strides = array<i32>} : memref<16x128xf32, #tpu.memory_space<vmem>>, vector<1x16xf32>,
      %get3A_93 = vector.shape_cast %get3A_92 : vector<1x16xf32> to vector<16xf32>
      %add3A_94 = arith.addf %add3A_88, %get3A_93 : vector<16xf32>
      %get3A_95 = arith.constant 4 : i32
      %get3A_96 = arith.index_cast %get3A_95 : i32 to index
      %get3A_97 = arith.constant 16 : index
      %get3A_98 = tpu.vector_load %arg7[%get3A_96, %get3A_97] {strides = array<i32>} : memref<16x128xf32, #tpu.memory_space<vmem>>, vector<1x16xf32>,
      %get3A_99 = vector.shape_cast %get3A_98 : vector<1x16xf32> to vector<16xf32>
      %add3A_100 = arith.addf %add3A_94, %get3A_99 : vector<16xf32>
      %get3A_101 = arith.constant 5 : i32
      %get3A_102 = arith.index_cast %get3A_101 : i32 to index
      %get3A_103 = arith.constant 16 : index
      %get3A_104 = tpu.vector_load %arg7[%get3A_102, %get3A_103] {strides = array<i32>} : memref<16x128xf32, #tpu.memory_space<vmem>>, vector<1x16xf32>,
      %get3A_105 = vector.shape_cast %get3A_104 : vector<1x16xf32> to vector<16xf32>
      %add3A_106 = arith.addf %add3A_100, %get3A_105 : vector<16xf32>
      %get3A_107 = arith.constant 6 : i32
      %get3A_108 = arith.index_cast %get3A_107 : i32 to index
      %get3A_109 = arith.constant 16 : index
      %get3A_110 = tpu.vector_load %arg7[%get3A_108, %get3A_109] {strides = array<i32>} : memref<16x128xf32, #tpu.memory_space<vmem>>, vector<1x16xf32>,
      %get3A_111 = vector.shape_cast %get3A_110 : vector<1x16xf32> to vector<16xf32>
      %add3A_112 = arith.addf %add3A_106, %get3A_111 : vector<16xf32>
      %get3A_113 = arith.constant 7 : i32
      %get3A_114 = arith.index_cast %get3A_113 : i32 to index
      %get3A_115 = arith.constant 16 : index
      %get3A_116 = tpu.vector_load %arg7[%get3A_114, %get3A_115] {strides = array<i32>} : memref<16x128xf32, #tpu.memory_space<vmem>>, vector<1x16xf32>,
      %get3A_117 = vector.shape_cast %get3A_116 : vector<1x16xf32> to vector<16xf32>
      %add3A_118 = arith.addf %add3A_112, %get3A_117 : vector<16xf32>
      %swap3A_119 = arith.constant 16 : index
      %swap3A_120 = tpu.vector_load %arg8[%swap3A_119] {strides = array<i32>} : memref<128xf32, #tpu.memory_space<vmem>>, vector<16xf32>,
      %swap3A_121 = vector.shape_cast %swap3A_120 : vector<16xf32> to vector<16xf32>
      %swap3A_122 = vector.shape_cast %add3A_118 : vector<16xf32> to vector<16xf32>
      tpu.vector_store %arg8[%swap3A_119], %swap3A_122 {strides = array<i32>} : memref<128xf32, #tpu.memory_space<vmem>>, vector<16xf32>,
      %get3A_123 = arith.constant 0 : i32
      %get3A_124 = arith.index_cast %get3A_123 : i32 to index
      %get3A_125 = arith.constant 32 : index
      %get3A_126 = tpu.vector_load %arg7[%get3A_124, %get3A_125] {strides = array<i32>} : memref<16x128xf32, #tpu.memory_space<vmem>>, vector<1x16xf32>,
      %get3A_127 = vector.shape_cast %get3A_126 : vector<1x16xf32> to vector<16xf32>
      %get3A_128 = arith.constant 1 : i32
      %get3A_129 = arith.index_cast %get3A_128 : i32 to index
      %get3A_130 = arith.constant 32 : index
      %get3A_131 = tpu.vector_load %arg7[%get3A_129, %get3A_130] {strides = array<i32>} : memref<16x128xf32, #tpu.memory_space<vmem>>, vector<1x16xf32>,
      %get3A_132 = vector.shape_cast %get3A_131 : vector<1x16xf32> to vector<16xf32>
      %add3A_133 = arith.addf %get3A_127, %get3A_132 : vector<16xf32>
      %get3A_134 = arith.constant 2 : i32
      %get3A_135 = arith.index_cast %get3A_134 : i32 to index
      %get3A_136 = arith.constant 32 : index
      %get3A_137 = tpu.vector_load %arg7[%get3A_135, %get3A_136] {strides = array<i32>} : memref<16x128xf32, #tpu.memory_space<vmem>>, vector<1x16xf32>,
      %get3A_138 = vector.shape_cast %get3A_137 : vector<1x16xf32> to vector<16xf32>
      %add3A_139 = arith.addf %add3A_133, %get3A_138 : vector<16xf32>
      %get3A_140 = arith.constant 3 : i32
      %get3A_141 = arith.index_cast %get3A_140 : i32 to index
      %get3A_142 = arith.constant 32 : index
      %get3A_143 = tpu.vector_load %arg7[%get3A_141, %get3A_142] {strides = array<i32>} : memref<16x128xf32, #tpu.memory_space<vmem>>, vector<1x16xf32>,
      %get3A_144 = vector.shape_cast %get3A_143 : vector<1x16xf32> to vector<16xf32>
      %add3A_145 = arith.addf %add3A_139, %get3A_144 : vector<16xf32>
      %get3A_146 = arith.constant 4 : i32
      %get3A_147 = arith.index_cast %get3A_146 : i32 to index
      %get3A_148 = arith.constant 32 : index
      %get3A_149 = tpu.vector_load %arg7[%get3A_147, %get3A_148] {strides = array<i32>} : memref<16x128xf32, #tpu.memory_space<vmem>>, vector<1x16xf32>,
      %get3A_150 = vector.shape_cast %get3A_149 : vector<1x16xf32> to vector<16xf32>
      %add3A_151 = arith.addf %add3A_145, %get3A_150 : vector<16xf32>
      %get3A_152 = arith.constant 5 : i32
      %get3A_153 = arith.index_cast %get3A_152 : i32 to index
      %get3A_154 = arith.constant 32 : index
      %get3A_155 = tpu.vector_load %arg7[%get3A_153, %get3A_154] {strides = array<i32>} : memref<16x128xf32, #tpu.memory_space<vmem>>, vector<1x16xf32>,
      %get3A_156 = vector.shape_cast %get3A_155 : vector<1x16xf32> to vector<16xf32>
      %add3A_157 = arith.addf %add3A_151, %get3A_156 : vector<16xf32>
      %get3A_158 = arith.constant 6 : i32
      %get3A_159 = arith.index_cast %get3A_158 : i32 to index
      %get3A_160 = arith.constant 32 : index
      %get3A_161 = tpu.vector_load %arg7[%get3A_159, %get3A_160] {strides = array<i32>} : memref<16x128xf32, #tpu.memory_space<vmem>>, vector<1x16xf32>,
      %get3A_162 = vector.shape_cast %get3A_161 : vector<1x16xf32> to vector<16xf32>
      %add3A_163 = arith.addf %add3A_157, %get3A_162 : vector<16xf32>
      %get3A_164 = arith.constant 7 : i32
      %get3A_165 = arith.index_cast %get3A_164 : i32 to index
      %get3A_166 = arith.constant 32 : index
      %get3A_167 = tpu.vector_load %arg7[%get3A_165, %get3A_166] {strides = array<i32>} : memref<16x128xf32, #tpu.memory_space<vmem>>, vector<1x16xf32>,
      %get3A_168 = vector.shape_cast %get3A_167 : vector<1x16xf32> to vector<16xf32>
      %add3A_169 = arith.addf %add3A_163, %get3A_168 : vector<16xf32>
      %swap3A_170 = arith.constant 32 : index
      %swap3A_171 = tpu.vector_load %arg8[%swap3A_170] {strides = array<i32>} : memref<128xf32, #tpu.memory_space<vmem>>, vector<16xf32>,
      %swap3A_172 = vector.shape_cast %swap3A_171 : vector<16xf32> to vector<16xf32>
      %swap3A_173 = vector.shape_cast %add3A_169 : vector<16xf32> to vector<16xf32>
      tpu.vector_store %arg8[%swap3A_170], %swap3A_173 {strides = array<i32>} : memref<128xf32, #tpu.memory_space<vmem>>, vector<16xf32>,
      %get3A_174 = arith.constant 0 : i32
      %get3A_175 = arith.index_cast %get3A_174 : i32 to index
      %get3A_176 = arith.constant 48 : index
      %get3A_177 = tpu.vector_load %arg7[%get3A_175, %get3A_176] {strides = array<i32>} : memref<16x128xf32, #tpu.memory_space<vmem>>, vector<1x16xf32>,
      %get3A_178 = vector.shape_cast %get3A_177 : vector<1x16xf32> to vector<16xf32>
      %get3A_179 = arith.constant 1 : i32
      %get3A_180 = arith.index_cast %get3A_179 : i32 to index
      %get3A_181 = arith.constant 48 : index
      %get3A_182 = tpu.vector_load %arg7[%get3A_180, %get3A_181] {strides = array<i32>} : memref<16x128xf32, #tpu.memory_space<vmem>>, vector<1x16xf32>,
      %get3A_183 = vector.shape_cast %get3A_182 : vector<1x16xf32> to vector<16xf32>
      %add3A_184 = arith.addf %get3A_178, %get3A_183 : vector<16xf32>
      %get3A_185 = arith.constant 2 : i32
      %get3A_186 = arith.index_cast %get3A_185 : i32 to index
      %get3A_187 = arith.constant 48 : index
      %get3A_188 = tpu.vector_load %arg7[%get3A_186, %get3A_187] {strides = array<i32>} : memref<16x128xf32, #tpu.memory_space<vmem>>, vector<1x16xf32>,
      %get3A_189 = vector.shape_cast %get3A_188 : vector<1x16xf32> to vector<16xf32>
      %add3A_190 = arith.addf %add3A_184, %get3A_189 : vector<16xf32>
      %get3A_191 = arith.constant 3 : i32
      %get3A_192 = arith.index_cast %get3A_191 : i32 to index
      %get3A_193 = arith.constant 48 : index
      %get3A_194 = tpu.vector_load %arg7[%get3A_192, %get3A_193] {strides = array<i32>} : memref<16x128xf32, #tpu.memory_space<vmem>>, vector<1x16xf32>,
      %get3A_195 = vector.shape_cast %get3A_194 : vector<1x16xf32> to vector<16xf32>
      %add3A_196 = arith.addf %add3A_190, %get3A_195 : vector<16xf32>
      %get3A_197 = arith.constant 4 : i32
      %get3A_198 = arith.index_cast %get3A_197 : i32 to index
      %get3A_199 = arith.constant 48 : index
      %get3A_200 = tpu.vector_load %arg7[%get3A_198, %get3A_199] {strides = array<i32>} : memref<16x128xf32, #tpu.memory_space<vmem>>, vector<1x16xf32>,
      %get3A_201 = vector.shape_cast %get3A_200 : vector<1x16xf32> to vector<16xf32>
      %add3A_202 = arith.addf %add3A_196, %get3A_201 : vector<16xf32>
      %get3A_203 = arith.constant 5 : i32
      %get3A_204 = arith.index_cast %get3A_203 : i32 to index
      %get3A_205 = arith.constant 48 : index
      %get3A_206 = tpu.vector_load %arg7[%get3A_204, %get3A_205] {strides = array<i32>} : memref<16x128xf32, #tpu.memory_space<vmem>>, vector<1x16xf32>,
      %get3A_207 = vector.shape_cast %get3A_206 : vector<1x16xf32> to vector<16xf32>
      %add3A_208 = arith.addf %add3A_202, %get3A_207 : vector<16xf32>
      %get3A_209 = arith.constant 6 : i32
      %get3A_210 = arith.index_cast %get3A_209 : i32 to index
      %get3A_211 = arith.constant 48 : index
      %get3A_212 = tpu.vector_load %arg7[%get3A_210, %get3A_211] {strides = array<i32>} : memref<16x128xf32, #tpu.memory_space<vmem>>, vector<1x16xf32>,
      %get3A_213 = vector.shape_cast %get3A_212 : vector<1x16xf32> to vector<16xf32>
      %add3A_214 = arith.addf %add3A_208, %get3A_213 : vector<16xf32>
      %get3A_215 = arith.constant 7 : i32
      %get3A_216 = arith.index_cast %get3A_215 : i32 to index
      %get3A_217 = arith.constant 48 : index
      %get3A_218 = tpu.vector_load %arg7[%get3A_216, %get3A_217] {strides = array<i32>} : memref<16x128xf32, #tpu.memory_space<vmem>>, vector<1x16xf32>,
      %get3A_219 = vector.shape_cast %get3A_218 : vector<1x16xf32> to vector<16xf32>
      %add3A_220 = arith.addf %add3A_214, %get3A_219 : vector<16xf32>
      %swap3A_221 = arith.constant 48 : index
      %swap3A_222 = tpu.vector_load %arg8[%swap3A_221] {strides = array<i32>} : memref<128xf32, #tpu.memory_space<vmem>>, vector<16xf32>,
      %swap3A_223 = vector.shape_cast %swap3A_222 : vector<16xf32> to vector<16xf32>
      %swap3A_224 = vector.shape_cast %add3A_220 : vector<16xf32> to vector<16xf32>
      tpu.vector_store %arg8[%swap3A_221], %swap3A_224 {strides = array<i32>} : memref<128xf32, #tpu.memory_space<vmem>>, vector<16xf32>,
      %get3A_225 = arith.constant 0 : i32
      %get3A_226 = arith.index_cast %get3A_225 : i32 to index
      %get3A_227 = arith.constant 64 : index
      %get3A_228 = tpu.vector_load %arg7[%get3A_226, %get3A_227] {strides = array<i32>} : memref<16x128xf32, #tpu.memory_space<vmem>>, vector<1x16xf32>,
      %get3A_229 = vector.shape_cast %get3A_228 : vector<1x16xf32> to vector<16xf32>
      %get3A_230 = arith.constant 1 : i32
      %get3A_231 = arith.index_cast %get3A_230 : i32 to index
      %get3A_232 = arith.constant 64 : index
      %get3A_233 = tpu.vector_load %arg7[%get3A_231, %get3A_232] {strides = array<i32>} : memref<16x128xf32, #tpu.memory_space<vmem>>, vector<1x16xf32>,
      %get3A_234 = vector.shape_cast %get3A_233 : vector<1x16xf32> to vector<16xf32>
      %add3A_235 = arith.addf %get3A_229, %get3A_234 : vector<16xf32>
      %get3A_236 = arith.constant 2 : i32
      %get3A_237 = arith.index_cast %get3A_236 : i32 to index
      %get3A_238 = arith.constant 64 : index
      %get3A_239 = tpu.vector_load %arg7[%get3A_237, %get3A_238] {strides = array<i32>} : memref<16x128xf32, #tpu.memory_space<vmem>>, vector<1x16xf32>,
      %get3A_240 = vector.shape_cast %get3A_239 : vector<1x16xf32> to vector<16xf32>
      %add3A_241 = arith.addf %add3A_235, %get3A_240 : vector<16xf32>
      %get3A_242 = arith.constant 3 : i32
      %get3A_243 = arith.index_cast %get3A_242 : i32 to index
      %get3A_244 = arith.constant 64 : index
      %get3A_245 = tpu.vector_load %arg7[%get3A_243, %get3A_244] {strides = array<i32>} : memref<16x128xf32, #tpu.memory_space<vmem>>, vector<1x16xf32>,
      %get3A_246 = vector.shape_cast %get3A_245 : vector<1x16xf32> to vector<16xf32>
      %add3A_247 = arith.addf %add3A_241, %get3A_246 : vector<16xf32>
      %get3A_248 = arith.constant 4 : i32
      %get3A_249 = arith.index_cast %get3A_248 : i32 to index
      %get3A_250 = arith.constant 64 : index
      %get3A_251 = tpu.vector_load %arg7[%get3A_249, %get3A_250] {strides = array<i32>} : memref<16x128xf32, #tpu.memory_space<vmem>>, vector<1x16xf32>,
      %get3A_252 = vector.shape_cast %get3A_251 : vector<1x16xf32> to vector<16xf32>
      %add3A_253 = arith.addf %add3A_247, %get3A_252 : vector<16xf32>
      %get3A_254 = arith.constant 5 : i32
      %get3A_255 = arith.index_cast %get3A_254 : i32 to index
      %get3A_256 = arith.constant 64 : index
      %get3A_257 = tpu.vector_load %arg7[%get3A_255, %get3A_256] {strides = array<i32>} : memref<16x128xf32, #tpu.memory_space<vmem>>, vector<1x16xf32>,
      %get3A_258 = vector.shape_cast %get3A_257 : vector<1x16xf32> to vector<16xf32>
      %add3A_259 = arith.addf %add3A_253, %get3A_258 : vector<16xf32>
      %get3A_260 = arith.constant 6 : i32
      %get3A_261 = arith.index_cast %get3A_260 : i32 to index
      %get3A_262 = arith.constant 64 : index
      %get3A_263 = tpu.vector_load %arg7[%get3A_261, %get3A_262] {strides = array<i32>} : memref<16x128xf32, #tpu.memory_space<vmem>>, vector<1x16xf32>,
      %get3A_264 = vector.shape_cast %get3A_263 : vector<1x16xf32> to vector<16xf32>
      %add3A_265 = arith.addf %add3A_259, %get3A_264 : vector<16xf32>
      %get3A_266 = arith.constant 7 : i32
      %get3A_267 = arith.index_cast %get3A_266 : i32 to index
      %get3A_268 = arith.constant 64 : index
      %get3A_269 = tpu.vector_load %arg7[%get3A_267, %get3A_268] {strides = array<i32>} : memref<16x128xf32, #tpu.memory_space<vmem>>, vector<1x16xf32>,
      %get3A_270 = vector.shape_cast %get3A_269 : vector<1x16xf32> to vector<16xf32>
      %add3A_271 = arith.addf %add3A_265, %get3A_270 : vector<16xf32>
      %swap3A_272 = arith.constant 64 : index
      %swap3A_273 = tpu.vector_load %arg8[%swap3A_272] {strides = array<i32>} : memref<128xf32, #tpu.memory_space<vmem>>, vector<16xf32>,
      %swap3A_274 = vector.shape_cast %swap3A_273 : vector<16xf32> to vector<16xf32>
      %swap3A_275 = vector.shape_cast %add3A_271 : vector<16xf32> to vector<16xf32>
      tpu.vector_store %arg8[%swap3A_272], %swap3A_275 {strides = array<i32>} : memref<128xf32, #tpu.memory_space<vmem>>, vector<16xf32>,
      %get3A_276 = arith.constant 0 : i32
      %get3A_277 = arith.index_cast %get3A_276 : i32 to index
      %get3A_278 = arith.constant 80 : index
      %get3A_279 = tpu.vector_load %arg7[%get3A_277, %get3A_278] {strides = array<i32>} : memref<16x128xf32, #tpu.memory_space<vmem>>, vector<1x16xf32>,
      %get3A_280 = vector.shape_cast %get3A_279 : vector<1x16xf32> to vector<16xf32>
      %get3A_281 = arith.constant 1 : i32
      %get3A_282 = arith.index_cast %get3A_281 : i32 to index
      %get3A_283 = arith.constant 80 : index
      %get3A_284 = tpu.vector_load %arg7[%get3A_282, %get3A_283] {strides = array<i32>} : memref<16x128xf32, #tpu.memory_space<vmem>>, vector<1x16xf32>,
      %get3A_285 = vector.shape_cast %get3A_284 : vector<1x16xf32> to vector<16xf32>
      %add3A_286 = arith.addf %get3A_280, %get3A_285 : vector<16xf32>
      %get3A_287 = arith.constant 2 : i32
      %get3A_288 = arith.index_cast %get3A_287 : i32 to index
      %get3A_289 = arith.constant 80 : index
      %get3A_290 = tpu.vector_load %arg7[%get3A_288, %get3A_289] {strides = array<i32>} : memref<16x128xf32, #tpu.memory_space<vmem>>, vector<1x16xf32>,
      %get3A_291 = vector.shape_cast %get3A_290 : vector<1x16xf32> to vector<16xf32>
      %add3A_292 = arith.addf %add3A_286, %get3A_291 : vector<16xf32>
      %get3A_293 = arith.constant 3 : i32
      %get3A_294 = arith.index_cast %get3A_293 : i32 to index
      %get3A_295 = arith.constant 80 : index
      %get3A_296 = tpu.vector_load %arg7[%get3A_294, %get3A_295] {strides = array<i32>} : memref<16x128xf32, #tpu.memory_space<vmem>>, vector<1x16xf32>,
      %get3A_297 = vector.shape_cast %get3A_296 : vector<1x16xf32> to vector<16xf32>
      %add3A_298 = arith.addf %add3A_292, %get3A_297 : vector<16xf32>
      %get3A_299 = arith.constant 4 : i32
      %get3A_300 = arith.index_cast %get3A_299 : i32 to index
      %get3A_301 = arith.constant 80 : index
      %get3A_302 = tpu.vector_load %arg7[%get3A_300, %get3A_301] {strides = array<i32>} : memref<16x128xf32, #tpu.memory_space<vmem>>, vector<1x16xf32>,
      %get3A_303 = vector.shape_cast %get3A_302 : vector<1x16xf32> to vector<16xf32>
      %add3A_304 = arith.addf %add3A_298, %get3A_303 : vector<16xf32>
      %get3A_305 = arith.constant 5 : i32
      %get3A_306 = arith.index_cast %get3A_305 : i32 to index
      %get3A_307 = arith.constant 80 : index
      %get3A_308 = tpu.vector_load %arg7[%get3A_306, %get3A_307] {strides = array<i32>} : memref<16x128xf32, #tpu.memory_space<vmem>>, vector<1x16xf32>,
      %get3A_309 = vector.shape_cast %get3A_308 : vector<1x16xf32> to vector<16xf32>
      %add3A_310 = arith.addf %add3A_304, %get3A_309 : vector<16xf32>
      %get3A_311 = arith.constant 6 : i32
      %get3A_312 = arith.index_cast %get3A_311 : i32 to index
      %get3A_313 = arith.constant 80 : index
      %get3A_314 = tpu.vector_load %arg7[%get3A_312, %get3A_313] {strides = array<i32>} : memref<16x128xf32, #tpu.memory_space<vmem>>, vector<1x16xf32>,
      %get3A_315 = vector.shape_cast %get3A_314 : vector<1x16xf32> to vector<16xf32>
      %add3A_316 = arith.addf %add3A_310, %get3A_315 : vector<16xf32>
      %get3A_317 = arith.constant 7 : i32
      %get3A_318 = arith.index_cast %get3A_317 : i32 to index
      %get3A_319 = arith.constant 80 : index
      %get3A_320 = tpu.vector_load %arg7[%get3A_318, %get3A_319] {strides = array<i32>} : memref<16x128xf32, #tpu.memory_space<vmem>>, vector<1x16xf32>,
      %get3A_321 = vector.shape_cast %get3A_320 : vector<1x16xf32> to vector<16xf32>
      %add3A_322 = arith.addf %add3A_316, %get3A_321 : vector<16xf32>
      %swap3A_323 = arith.constant 80 : index
      %swap3A_324 = tpu.vector_load %arg8[%swap3A_323] {strides = array<i32>} : memref<128xf32, #tpu.memory_space<vmem>>, vector<16xf32>,
      %swap3A_325 = vector.shape_cast %swap3A_324 : vector<16xf32> to vector<16xf32>
      %swap3A_326 = vector.shape_cast %add3A_322 : vector<16xf32> to vector<16xf32>
      tpu.vector_store %arg8[%swap3A_323], %swap3A_326 {strides = array<i32>} : memref<128xf32, #tpu.memory_space<vmem>>, vector<16xf32>,
      %get3A_327 = arith.constant 0 : i32
      %get3A_328 = arith.index_cast %get3A_327 : i32 to index
      %get3A_329 = arith.constant 96 : index
      %get3A_330 = tpu.vector_load %arg7[%get3A_328, %get3A_329] {strides = array<i32>} : memref<16x128xf32, #tpu.memory_space<vmem>>, vector<1x16xf32>,
      %get3A_331 = vector.shape_cast %get3A_330 : vector<1x16xf32> to vector<16xf32>
      %get3A_332 = arith.constant 1 : i32
      %get3A_333 = arith.index_cast %get3A_332 : i32 to index
      %get3A_334 = arith.constant 96 : index
      %get3A_335 = tpu.vector_load %arg7[%get3A_333, %get3A_334] {strides = array<i32>} : memref<16x128xf32, #tpu.memory_space<vmem>>, vector<1x16xf32>,
      %get3A_336 = vector.shape_cast %get3A_335 : vector<1x16xf32> to vector<16xf32>
      %add3A_337 = arith.addf %get3A_331, %get3A_336 : vector<16xf32>
      %get3A_338 = arith.constant 2 : i32
      %get3A_339 = arith.index_cast %get3A_338 : i32 to index
      %get3A_340 = arith.constant 96 : index
      %get3A_341 = tpu.vector_load %arg7[%get3A_339, %get3A_340] {strides = array<i32>} : memref<16x128xf32, #tpu.memory_space<vmem>>, vector<1x16xf32>,
      %get3A_342 = vector.shape_cast %get3A_341 : vector<1x16xf32> to vector<16xf32>
      %add3A_343 = arith.addf %add3A_337, %get3A_342 : vector<16xf32>
      %get3A_344 = arith.constant 3 : i32
      %get3A_345 = arith.index_cast %get3A_344 : i32 to index
      %get3A_346 = arith.constant 96 : index
      %get3A_347 = tpu.vector_load %arg7[%get3A_345, %get3A_346] {strides = array<i32>} : memref<16x128xf32, #tpu.memory_space<vmem>>, vector<1x16xf32>,
      %get3A_348 = vector.shape_cast %get3A_347 : vector<1x16xf32> to vector<16xf32>
      %add3A_349 = arith.addf %add3A_343, %get3A_348 : vector<16xf32>
      %get3A_350 = arith.constant 4 : i32
      %get3A_351 = arith.index_cast %get3A_350 : i32 to index
      %get3A_352 = arith.constant 96 : index
      %get3A_353 = tpu.vector_load %arg7[%get3A_351, %get3A_352] {strides = array<i32>} : memref<16x128xf32, #tpu.memory_space<vmem>>, vector<1x16xf32>,
      %get3A_354 = vector.shape_cast %get3A_353 : vector<1x16xf32> to vector<16xf32>
      %add3A_355 = arith.addf %add3A_349, %get3A_354 : vector<16xf32>
      %get3A_356 = arith.constant 5 : i32
      %get3A_357 = arith.index_cast %get3A_356 : i32 to index
      %get3A_358 = arith.constant 96 : index
      %get3A_359 = tpu.vector_load %arg7[%get3A_357, %get3A_358] {strides = array<i32>} : memref<16x128xf32, #tpu.memory_space<vmem>>, vector<1x16xf32>,
      %get3A_360 = vector.shape_cast %get3A_359 : vector<1x16xf32> to vector<16xf32>
      %add3A_361 = arith.addf %add3A_355, %get3A_360 : vector<16xf32>
      %get3A_362 = arith.constant 6 : i32
      %get3A_363 = arith.index_cast %get3A_362 : i32 to index
      %get3A_364 = arith.constant 96 : index
      %get3A_365 = tpu.vector_load %arg7[%get3A_363, %get3A_364] {strides = array<i32>} : memref<16x128xf32, #tpu.memory_space<vmem>>, vector<1x16xf32>,
      %get3A_366 = vector.shape_cast %get3A_365 : vector<1x16xf32> to vector<16xf32>
      %add3A_367 = arith.addf %add3A_361, %get3A_366 : vector<16xf32>
      %get3A_368 = arith.constant 7 : i32
      %get3A_369 = arith.index_cast %get3A_368 : i32 to index
      %get3A_370 = arith.constant 96 : index
      %get3A_371 = tpu.vector_load %arg7[%get3A_369, %get3A_370] {strides = array<i32>} : memref<16x128xf32, #tpu.memory_space<vmem>>, vector<1x16xf32>,
      %get3A_372 = vector.shape_cast %get3A_371 : vector<1x16xf32> to vector<16xf32>
      %add3A_373 = arith.addf %add3A_367, %get3A_372 : vector<16xf32>
      %swap3A_374 = arith.constant 96 : index
      %swap3A_375 = tpu.vector_load %arg8[%swap3A_374] {strides = array<i32>} : memref<128xf32, #tpu.memory_space<vmem>>, vector<16xf32>,
      %swap3A_376 = vector.shape_cast %swap3A_375 : vector<16xf32> to vector<16xf32>
      %swap3A_377 = vector.shape_cast %add3A_373 : vector<16xf32> to vector<16xf32>
      tpu.vector_store %arg8[%swap3A_374], %swap3A_377 {strides = array<i32>} : memref<128xf32, #tpu.memory_space<vmem>>, vector<16xf32>,
      %get3A_378 = arith.constant 0 : i32
      %get3A_379 = arith.index_cast %get3A_378 : i32 to index
      %get3A_380 = arith.constant 112 : index
      %get3A_381 = tpu.vector_load %arg7[%get3A_379, %get3A_380] {strides = array<i32>} : memref<16x128xf32, #tpu.memory_space<vmem>>, vector<1x16xf32>,
      %get3A_382 = vector.shape_cast %get3A_381 : vector<1x16xf32> to vector<16xf32>
      %get3A_383 = arith.constant 1 : i32
      %get3A_384 = arith.index_cast %get3A_383 : i32 to index
      %get3A_385 = arith.constant 112 : index
      %get3A_386 = tpu.vector_load %arg7[%get3A_384, %get3A_385] {strides = array<i32>} : memref<16x128xf32, #tpu.memory_space<vmem>>, vector<1x16xf32>,
      %get3A_387 = vector.shape_cast %get3A_386 : vector<1x16xf32> to vector<16xf32>
      %add3A_388 = arith.addf %get3A_382, %get3A_387 : vector<16xf32>
      %get3A_389 = arith.constant 2 : i32
      %get3A_390 = arith.index_cast %get3A_389 : i32 to index
      %get3A_391 = arith.constant 112 : index
      %get3A_392 = tpu.vector_load %arg7[%get3A_390, %get3A_391] {strides = array<i32>} : memref<16x128xf32, #tpu.memory_space<vmem>>, vector<1x16xf32>,
      %get3A_393 = vector.shape_cast %get3A_392 : vector<1x16xf32> to vector<16xf32>
      %add3A_394 = arith.addf %add3A_388, %get3A_393 : vector<16xf32>
      %get3A_395 = arith.constant 3 : i32
      %get3A_396 = arith.index_cast %get3A_395 : i32 to index
      %get3A_397 = arith.constant 112 : index
      %get3A_398 = tpu.vector_load %arg7[%get3A_396, %get3A_397] {strides = array<i32>} : memref<16x128xf32, #tpu.memory_space<vmem>>, vector<1x16xf32>,
      %get3A_399 = vector.shape_cast %get3A_398 : vector<1x16xf32> to vector<16xf32>
      %add3A_400 = arith.addf %add3A_394, %get3A_399 : vector<16xf32>
      %get3A_401 = arith.constant 4 : i32
      %get3A_402 = arith.index_cast %get3A_401 : i32 to index
      %get3A_403 = arith.constant 112 : index
      %get3A_404 = tpu.vector_load %arg7[%get3A_402, %get3A_403] {strides = array<i32>} : memref<16x128xf32, #tpu.memory_space<vmem>>, vector<1x16xf32>,
      %get3A_405 = vector.shape_cast %get3A_404 : vector<1x16xf32> to vector<16xf32>
      %add3A_406 = arith.addf %add3A_400, %get3A_405 : vector<16xf32>
      %get3A_407 = arith.constant 5 : i32
      %get3A_408 = arith.index_cast %get3A_407 : i32 to index
      %get3A_409 = arith.constant 112 : index
      %get3A_410 = tpu.vector_load %arg7[%get3A_408, %get3A_409] {strides = array<i32>} : memref<16x128xf32, #tpu.memory_space<vmem>>, vector<1x16xf32>,
      %get3A_411 = vector.shape_cast %get3A_410 : vector<1x16xf32> to vector<16xf32>
      %add3A_412 = arith.addf %add3A_406, %get3A_411 : vector<16xf32>
      %get3A_413 = arith.constant 6 : i32
      %get3A_414 = arith.index_cast %get3A_413 : i32 to index
      %get3A_415 = arith.constant 112 : index
      %get3A_416 = tpu.vector_load %arg7[%get3A_414, %get3A_415] {strides = array<i32>} : memref<16x128xf32, #tpu.memory_space<vmem>>, vector<1x16xf32>,
      %get3A_417 = vector.shape_cast %get3A_416 : vector<1x16xf32> to vector<16xf32>
      %add3A_418 = arith.addf %add3A_412, %get3A_417 : vector<16xf32>
      %get3A_419 = arith.constant 7 : i32
      %get3A_420 = arith.index_cast %get3A_419 : i32 to index
      %get3A_421 = arith.constant 112 : index
      %get3A_422 = tpu.vector_load %arg7[%get3A_420, %get3A_421] {strides = array<i32>} : memref<16x128xf32, #tpu.memory_space<vmem>>, vector<1x16xf32>,
      %get3A_423 = vector.shape_cast %get3A_422 : vector<1x16xf32> to vector<16xf32>
      %add3A_424 = arith.addf %add3A_418, %get3A_423 : vector<16xf32>
      %swap3A_425 = arith.constant 112 : index
      %swap3A_426 = tpu.vector_load %arg8[%swap3A_425] {strides = array<i32>} : memref<128xf32, #tpu.memory_space<vmem>>, vector<16xf32>,
      %swap3A_427 = vector.shape_cast %swap3A_426 : vector<16xf32> to vector<16xf32>
      %swap3A_428 = vector.shape_cast %add3A_424 : vector<16xf32> to vector<16xf32>
      tpu.vector_store %arg8[%swap3A_425], %swap3A_428 {strides = array<i32>} : memref<128xf32, #tpu.memory_space<vmem>>, vector<16xf32>,
      %run_scoped3A = arith.constant 12 : i32
      "tpu.region"() ({
        %run_scoped3A_429 = tpu.sem_alloc : memref<!tpu.dma_semaphore, #tpu.memory_space<semaphore_mem>>
        %dma_start3A_430 = arith.constant 0 : i32
        %dma_start3A_431 = tpu.memref_slice %arg4[%run_scoped3A, %dma_start3A_430] : memref<13x128xf32, #tpu.memory_space<hbm>> -> memref<1x128xf32, #tpu.memory_space<hbm>>
        %dma_start3A_432 = tpu.memref_squeeze %dma_start3A_431 : memref<1x128xf32, #tpu.memory_space<hbm>> -> memref<128xf32, #tpu.memory_space<hbm>>
        %dma_start3A_433 = arith.constant 0 : i32
        %dma_start3A_434 = tpu.memref_slice %arg4[%run_scoped3A, %dma_start3A_433] : memref<13x128xf32, #tpu.memory_space<hbm>> -> memref<1x128xf32, #tpu.memory_space<hbm>>
        %dma_start3A_435 = tpu.memref_squeeze %dma_start3A_434 : memref<1x128xf32, #tpu.memory_space<hbm>> -> memref<128xf32, #tpu.memory_space<hbm>>
        tpu.enqueue_dma source(%arg8 : memref<128xf32, #tpu.memory_space<vmem>>) target(%dma_start3A_435 : memref<128xf32, #tpu.memory_space<hbm>>) target_semaphore(%run_scoped3A_429 : memref<!tpu.dma_semaphore, #tpu.memory_space<semaphore_mem>>)
        %dma_wait3A_436 = arith.constant 0 : i32
        %dma_wait3A_437 = tpu.memref_slice %arg4[%run_scoped3A, %dma_wait3A_436] : memref<13x128xf32, #tpu.memory_space<hbm>> -> memref<1x128xf32, #tpu.memory_space<hbm>>
        %dma_wait3A_438 = tpu.memref_squeeze %dma_wait3A_437 : memref<1x128xf32, #tpu.memory_space<hbm>> -> memref<128xf32, #tpu.memory_space<hbm>>
        %dma_wait3A_439 = arith.constant 0 : i32
        %dma_wait3A_440 = tpu.memref_slice %arg4[%run_scoped3A, %dma_wait3A_439] : memref<13x128xf32, #tpu.memory_space<hbm>> -> memref<1x128xf32, #tpu.memory_space<hbm>>
        %dma_wait3A_441 = tpu.memref_squeeze %dma_wait3A_440 : memref<1x128xf32, #tpu.memory_space<hbm>> -> memref<128xf32, #tpu.memory_space<hbm>>
        tpu.wait_dma2 semaphore(%run_scoped3A_429 : memref<!tpu.dma_semaphore, #tpu.memory_space<semaphore_mem>>) src(%arg8 : memref<128xf32, #tpu.memory_space<vmem>>) dst(%dma_wait3A_441 : memref<128xf32, #tpu.memory_space<hbm>>)
        tpu.yield
      }) : () -> ()
    } else {
    }
    return
  }
}

module attributes {stable_mosaic.version = 14 : i64} {
  func.func @_mlp_body(%arg0: memref<13x128xf32, #tpu.memory_space<vmem>>, %arg1: memref<128x150xf32, #tpu.memory_space<vmem>>, %arg2: memref<1x150xf32, #tpu.memory_space<vmem>>, %arg3: memref<150x128xf32, #tpu.memory_space<vmem>>, %arg4: memref<1x128xf32, #tpu.memory_space<vmem>>, %arg5: memref<1x128xf32, #tpu.memory_space<vmem>>) attributes {dimension_semantics = [], scalar_prefetch = 0 : i64, scratch_operands = 0 : i64, tpu.core_type = #tpu.core_type<tc>} {
    %get3A = arith.constant 0 : index
    %get3A_0 = arith.constant 0 : index
    %get3A_1 = vector.load %arg0[%get3A, %get3A_0] : memref<13x128xf32, #tpu.memory_space<vmem>>, vector<13x128xf32>
    %reduce_sum3A = arith.constant dense<0.000000e+00> : vector<128xf32>
    %reduce_sum3A_2 = vector.multi_reduction <add>, %get3A_1, %reduce_sum3A [0] : vector<13x128xf32> to vector<128xf32>
    %broadcast_in_dim3A = vector.shape_cast %reduce_sum3A_2 : vector<128xf32> to vector<1x128xf32>
    %get3A_3 = arith.constant 0 : index
    %get3A_4 = arith.constant 0 : index
    %get3A_5 = vector.load %arg1[%get3A_3, %get3A_4] : memref<128x150xf32, #tpu.memory_space<vmem>>, vector<128x150xf32>
    %dot_general3A = arith.constant dense<0.000000e+00> : vector<1x150xf32>
    %dot_general3A_6 = tpu.matmul %broadcast_in_dim3A, %get3A_5, %dot_general3A {dimension_numbers = #tpu.dot_dimension_numbers<[1], [0], [0], [1], [0, 0, 1, 1], [], []>, transpose_lhs_hint = false} : vector<1x128xf32>, vector<128x150xf32>, vector<1x150xf32> -> vector<1x150xf32>
    %get3A_7 = arith.constant 0 : index
    %get3A_8 = arith.constant 0 : index
    %get3A_9 = vector.load %arg2[%get3A_7, %get3A_8] : memref<1x150xf32, #tpu.memory_space<vmem>>, vector<1x150xf32>
    %add3A = arith.addf %dot_general3A_6, %get3A_9 : vector<1x150xf32>
    %max3A = arith.constant 0.000000e+00 : f32
    %max3A_10 = vector.broadcast %max3A : f32 to vector<1x150xf32>
    %max3A_11 = arith.maximumf %add3A, %max3A_10 : vector<1x150xf32>
    %get3A_12 = arith.constant 0 : index
    %get3A_13 = arith.constant 0 : index
    %get3A_14 = vector.load %arg3[%get3A_12, %get3A_13] : memref<150x128xf32, #tpu.memory_space<vmem>>, vector<150x128xf32>
    %dot_general3A_15 = arith.constant dense<0.000000e+00> : vector<1x128xf32>
    %dot_general3A_16 = tpu.matmul %max3A_11, %get3A_14, %dot_general3A_15 {dimension_numbers = #tpu.dot_dimension_numbers<[1], [0], [0], [1], [0, 0, 1, 1], [], []>, transpose_lhs_hint = false} : vector<1x150xf32>, vector<150x128xf32>, vector<1x128xf32> -> vector<1x128xf32>
    %get3A_17 = arith.constant 0 : index
    %get3A_18 = arith.constant 0 : index
    %get3A_19 = vector.load %arg4[%get3A_17, %get3A_18] : memref<1x128xf32, #tpu.memory_space<vmem>>, vector<1x128xf32>
    %add3A_20 = arith.addf %dot_general3A_16, %get3A_19 : vector<1x128xf32>
    %reduce_max3A = arith.constant dense<0xFF800000> : vector<1xf32>
    %reduce_max3A_21 = vector.multi_reduction <maximumf>, %add3A_20, %reduce_max3A [1] : vector<1x128xf32> to vector<1xf32>
    %broadcast_in_dim3A_22 = vector.shape_cast %reduce_max3A_21 : vector<1xf32> to vector<1x1xf32>
    %sub3A = vector.broadcast %broadcast_in_dim3A_22 : vector<1x1xf32> to vector<1x128xf32>
    %sub3A_23 = arith.subf %add3A_20, %sub3A : vector<1x128xf32>
    %exp3A = math.exp %sub3A_23 : vector<1x128xf32>
    %reduce_sum3A_24 = arith.constant dense<0.000000e+00> : vector<1xf32>
    %reduce_sum3A_25 = vector.multi_reduction <add>, %exp3A, %reduce_sum3A_24 [1] : vector<1x128xf32> to vector<1xf32>
    %broadcast_in_dim3A_26 = vector.shape_cast %reduce_sum3A_25 : vector<1xf32> to vector<1x1xf32>
    %log3A = math.log %broadcast_in_dim3A_26 : vector<1x1xf32>
    %sub3A_27 = vector.broadcast %log3A : vector<1x1xf32> to vector<1x128xf32>
    %sub3A_28 = arith.subf %sub3A_23, %sub3A_27 : vector<1x128xf32>
    %swap3A = arith.constant 0 : index
    %swap3A_29 = arith.constant 0 : index
    %swap3A_30 = vector.load %arg5[%swap3A, %swap3A_29] : memref<1x128xf32, #tpu.memory_space<vmem>>, vector<1x128xf32>
    tpu.vector_store %arg5[%swap3A, %swap3A_29], %sub3A_28 {strides = array<i32>} : memref<1x128xf32, #tpu.memory_space<vmem>>, vector<1x128xf32>,
    return
  }
}

</mosaic_0001>

<sc_bundles>
// kernel: kernel.4.cloned.1.call-start
scs
__scs_entry_jumppad:
0x0: {  	(pc) =	sbr.rel $0x88, $3  }
0x1: {  	(tag) =	ssettag $0x0;
	lr =	simm.s32 $0x1  }
0x2: {  	[smem:$0x3F9B] =	sst lr;
	_ =	strace $0xD0000000  }
0x3: {  	_ = 	snop  }
0x4: {  	_ = 	snop  }
0x5: {  	_ = 	snop  }
0x6: {  	_ = 	snop  }
0x7: {  	_ = 	snop  }
__scs_overlays_trampoline_lowered:
0x8: {  	[smem:$0x3FAA] =	sst s0  }
0x9: {  	[smem:$0x3FAB] =	sst s1  }
0xa: {  	[smem:$0x3FAC] =	sst s2  }
0xb: {  	[smem:$0x3FAD] =	sst s3  }
0xc: {  	[smem:$0x3FAE] =	sst s4  }
0xd: {  	[smem:$0x3FAF] =	sst s5  }
0xe: {  	[smem:$0x3FB0] =	sst s6  }
0xf: {  	[smem:$0x3FB1] =	sst s7  }
0x10: {  	[smem:$0x3FB2] =	sst s8  }
0x11: {  	[smem:$0x3FB3] =	sst s9;
	s0 =	simm.s32 @!p0 $0x0  }
0x12: {  	s1 =	sld [smem:$0x3F99];
	s0 =	simm.s32 @p0 $0x1  }
0x13: {  	[smem:$0x3FB4] =	sst s0;
	s0 =	simm.s32 @!p1 $0x0  }
0x14: {  	s2 =	sld [smem:$0x3F98];
	s0 =	simm.s32 @p1 $0x1  }
0x15: {  	[smem:$0x3FB5] =	sst s0;
	s0 =	simm.s32 @!p2 $0x0  }
0x16: {  	s3 =	sld [smem:$0x3FDB];
	s0 =	simm.s32 @p2 $0x1  }
0x17: {  	s4 =	simm.s32 $0x1BF5;
	[smem:$0x3FB7] =	sst s0  }
0x18: {  	s0 =	sld [smem:$0x3F9A];
	_ =	swait.ge [sflag:s4], $0x0  }
0x19: {  	s7 =	sld [smem:$0x3F9B]  }
0x1a: {  	s8 =	sadd.s32 $0xFFFFE003, lr  }
0x1b: {  	s9 =	sadd.s32 $0xFFFFFEF7, lr;
	s5 =	simm.s32 $0xFFFFFFFF;
	p2 =	slt.u32 s8, $0xFFFFF086  }
0x1c: {  	p1 =	slt.u32 s9, $0xF7A;
	s5 =	simm.s32 @!p2 $0x0  }
0x1d: {  	s5 =	simm.s32 @p1 $0x1;
	p0 =	seq.s32 s7, s2  }
0x1e: {  	s7 =	smul.u32 @!p0 $0xF7A, s2;
	p2 =	seq.s32 @!p0 s5, $0x0  }
0x1f: {  	s9 =	smul.u32 $0xF7A, s1;
	s8 =	simm.s32 @!p0 $0x1BF5;
	p2 =	por !p2, p0  }
0x20: {  	[sflag:s8] =	ssyncset.s32 @!p0 $0xFFFFF086;
	s6 =	sadd.s32 @!p0 s3, s7;
	s7 =	simm.s32 @!p0 $0x108  }
0x21: {  	s3 =	sadd.s32 s3, s9;
	s6 =	sadd.s32 @!p0 $0x88, s6;
	s7 =	simm.s32 @p2 $0x1082  }
0x22: {  	[simem:s7], [sflag:s8] =	dma.local @!p0 [hbm:s6], $0xF7A  }
0x23: {  	s9 =	sor.u32 $0xD0000000, s2;
	s6 =	simm.s32 $0x108;
	_ =	swait.ge @!p0 [sflag:s8], $0x0  }
0x24: {  	s3 =	sadd.s32 $0x88, s3;
	s6 =	simm.s32 @!p1 $0x1082;
	[sflag:s4] =	ssyncset.s32 $0xFFFFF086  }
0x25: {  	[simem:s6], [sflag:s4] =	dma.local [hbm:s3], $0xF7A  }
0x26: {  	[smem:$0x3F9B] =	sst s1;
	(tag) =	ssettag s2;
	_ =	strace s9  }
0x27: {  	s1 =	sld [smem:$0x3FAB]  }
0x28: {  	s2 =	sld [smem:$0x3FAC]  }
0x29: {  	s4 =	sld [smem:$0x3FAE]  }
0x2a: {  	p0 =	seq.s32 s5, $0x0;
	s5 =	sld [smem:$0x3FAF]  }
0x2b: {  	s6 =	sld [smem:$0x3FB0]  }
0x2c: {  	s7 =	sld [smem:$0x3FB1]  }
0x2d: {  	s3 =	simm.s32 $0x108;
	s8 =	sld [smem:$0x3FB2]  }
0x2e: {  	s3 =	simm.s32 @!p0 $0x1082;
	s9 =	sld [smem:$0x3FB3]  }
0x2f: {  	lr =	sadd.s32 s0, s3;
	s0 =	sld [smem:$0x3FAA]  }
0x30: {  	s3 =	sld [smem:$0x3FAD]  }
0x31: {  	[smem:$0x3FB6] =	sst s10  }
0x32: {  	s10 =	sld [smem:$0x3FB4];
	_ =	sdelay $0x3  }
0x33: {  	p0 =	seq.s32 s10, $0x1;
	s10 =	sld [smem:$0x3FB6];
	_ =	sdelay $0x3  }
0x34: {  	[smem:$0x3FB6] =	sst s10  }
0x35: {  	s10 =	sld [smem:$0x3FB5];
	_ =	sdelay $0x3  }
0x36: {  	p1 =	seq.s32 s10, $0x1;
	s10 =	sld [smem:$0x3FB6];
	_ =	sdelay $0x3  }
0x37: {  	[smem:$0x3FB6] =	sst s10  }
0x38: {  	s10 =	sld [smem:$0x3FB7]  }
0x39: {  	_ = 	snop;
	(pc) =	sbr.ind lr, $3  }
0x3a: {  	_ = 	snop  }
0x3b: {  	_ = 	snop  }
0x3c: {  	p2 =	seq.s32 s10, $0x1;
	s10 =	sld [smem:$0x3FB6]  }
0x3d: {  	_ =	shalt  }
0x3e: {  	_ =	shalt  }
0x3f: {  	_ =	shalt  }
0x40: {  	_ =	shalt  }
0x41: {  	_ =	shalt  }
0x42: {  	_ =	shalt  }
0x43: {  	_ =	shalt  }
0x44: {  	_ =	shalt  }
0x45: {  	_ =	shalt  }
0x46: {  	_ =	shalt  }
0x47: {  	_ =	shalt  }
0x48: {  	_ =	shalt  }
0x49: {  	_ =	shalt  }
0x4a: {  	_ =	shalt  }
0x4b: {  	_ =	shalt  }
0x4c: {  	_ =	shalt  }
0x4d: {  	_ =	shalt  }
0x4e: {  	_ =	shalt  }
0x4f: {  	_ =	shalt  }
0x50: {  	_ =	shalt  }
0x51: {  	_ =	shalt  }
0x52: {  	_ =	shalt  }
0x53: {  	_ =	shalt  }
0x54: {  	_ =	shalt  }
0x55: {  	_ =	shalt  }
0x56: {  	_ =	shalt  }
0x57: {  	_ =	shalt  }
0x58: {  	_ =	shalt  }
0x59: {  	_ =	shalt  }
0x5a: {  	_ =	shalt  }
0x5b: {  	_ =	shalt  }
0x5c: {  	_ =	shalt  }
0x5d: {  	_ =	shalt  }
0x5e: {  	_ =	shalt  }
0x5f: {  	_ =	shalt  }
0x60: {  	_ =	shalt  }
0x61: {  	_ =	shalt  }
0x62: {  	_ =	shalt  }
0x63: {  	_ =	shalt  }
0x64: {  	_ =	shalt  }
0x65: {  	_ =	shalt  }
0x66: {  	_ =	shalt  }
0x67: {  	_ =	shalt  }
0x68: {  	_ =	shalt  }
0x69: {  	_ =	shalt  }
0x6a: {  	_ =	shalt  }
0x6b: {  	_ =	shalt  }
0x6c: {  	_ =	shalt  }
0x6d: {  	_ =	shalt  }
0x6e: {  	_ =	shalt  }
0x6f: {  	_ =	shalt  }
0x70: {  	_ =	shalt  }
0x71: {  	_ =	shalt  }
0x72: {  	_ =	shalt  }
0x73: {  	_ =	shalt  }
0x74: {  	_ =	shalt  }
0x75: {  	_ =	shalt  }
0x76: {  	_ =	shalt  }
0x77: {  	_ =	shalt  }
0x78: {  	_ =	shalt  }
0x79: {  	_ =	shalt  }
0x7a: {  	_ =	shalt  }
0x7b: {  	_ =	shalt  }
0x7c: {  	_ =	shalt  }
0x7d: {  	_ =	shalt  }
0x7e: {  	_ =	shalt  }
0x7f: {  	_ =	shalt  }
0x80: {  	_ =	shalt  }
0x81: {  	_ =	shalt  }
0x82: {  	_ =	shalt  }
0x83: {  	_ =	shalt  }
0x84: {  	_ =	shalt  }
0x85: {  	_ =	shalt  }
0x86: {  	_ =	shalt  }
0x87: {  	_ =	shalt  }
.Lfunc_end0:
.L_simem_size_0:
called_computation_lowered:
.L_overlay_start_0:
0x88: {  	s0 =	sld [smem:$0x3FD9]  }
0x89: {  	s1 =	sld [smem:$0x3FFE];
	_ =	sdelay $0x3  }
0x8a: {  	s0 =	sadd.s32 s1, s0  }
0x8b: {  	[smem:$0x3FC2] =	sst s0  }
0x8c: {  	_ = 	snop  }
0x8d: {  	s0 =	sld [smem:$0x3FC9]  }
0x8e: {  	s16 =	sld [smem:$0x3FC8];
	(tm) =	ssettm $0x1  }
0x8f: {  	s2 =	sld [smem:$0x3FFB];
	_ =	sdelay $0x3  }
0x90: {  	_ =	strace s2  }
0x91: {  	s2 =	sld [smem:$0x3FFC];
	_ =	sdelay $0x3  }
0x92: {  	_ =	strace s2  }
0x93: {  	s2 =	sld [smem:$0x3FFD];
	_ =	sdelay $0x3  }
0x94: {  	_ =	strace s2  }
0x95: {  	_ =	strace $0x8FFFFFFF  }
0x96: {  	s17 =	sld [smem:$0x3FDB];
	_ =	sdelay $0x1  }
0x97: {  	s3 =	simm.s32 $_scs_section_size  }
0x98: {  	s4 =	simm.s32 $_size__tile_overlayer_lowered;
	s5 =	simm.s32 $_tile_overlayer_lowered  }
0x99: {  	s20 =	simm.s32 $0x1BFF;
	s19 =	sshll.u32 s5, $0x1;
	s2 =	sadd.s32 s3, s17  }
0x9a: {  	s6 =	simm.s32 $0x0;
	s18 =	sshll.u32 s4, $0x1;
	s4 =	sadd.s32 s19, s2  }
0x9b: {  	[timem:s6], [sflag:s20] =	dma.local [hbm:s4], s18  }
0x9c: {  	_ =	swait.ge [sflag:s20], s18  }
0x9d: {  	s3 =	ssub.s32 $0x0, s18;
	[sflag:s20] =	ssyncset.done $0x0  }
0x9e: {  	[sflag:s20] =	ssyncadd.s32 s3;
	_ =	sdelay $0x1  }
0x9f: {  	s21 =	simm.s32 $0x1B8B  }
0xa0: {  	_ =	swait.ge [sflag:s21], $0x1  }
0xa1: {  	[sflag:s21] =	ssyncset.done $0x0  }
0xa2: {  	s23 =	simm.s32 $0x1B8E;
	s22 =	sld [smem:$0x3FFE];
	[sflag:s21] =	ssyncadd.s32 $0xFFFFFFFF  }
0xa3: {  	s24 =	simm.s32 $execute0_lowered;
	[smem:$0x3FD2] =	sst s23  }
0xa4: {  	s4 =	sshll.u32 s24, $0x1;
	_ =	strace $0x80000046;
	[dreg:$0x1] =	wrdreg $0xFFFFFFFF  }
0xa5: {  	s25 =	simm.s32 $_size_execute0_lowered;
	s2 =	sadd.s32 s2, s4;
	[dreg:$0x0] =	wrdreg $0x0  }
0xa6: {  	s4 =	sshll.u32 s25, $0x1;
	[dreg:$0x2] =	wrdreg s2  }
0xa7: {  	[dreg:$0x3] =	wrdreg s4  }
0xa8: {  	[dreg:$0x4] =	wrdreg $0xC0  }
0xa9: {  	_ =	task [dreg:s6], $0x5FFFF  }
0xaa: {  	[dreg:$0x1] =	wrdreg $0xFFFFFFFF  }
0xab: {  	[dreg:$0x0] =	wrdreg $0x60  }
0xac: {  	[dreg:$0x2] =	wrdreg s0  }
0xad: {  	[dreg:$0x3] =	wrdreg s16  }
0xae: {  	[dreg:$0x4] =	wrdreg s22  }
0xaf: {  	[dreg:$0x5] =	wrdreg $0x9  }
0xb0: {  	_ =	task.clear_ibuf [dreg:s6], $0x6FFFF;
	_ =	strace $0x90000046  }
0xb1: {  	s26 =	simm.s32 $0x9;
	_ =	strace $0x80000048  }
0xb2: {  	_ =	swait.ge [sflag:s26], $0x1  }
0xb3: {  	[sflag:s26] =	ssyncadd.s32 $0xFFFFFFFF  }
0xb4: {  	_ =	strace $0x90000048  }
0xb5: {  	_ =	sfence  }
0xb6: {  	s28 =	sld [smem:$0x0];
	_ =	sdelay $0x1  }
0xb7: {  	s29 =	srdreg.scid  }
0xb8: {  	s30 =	sshll.u32 s29, $0xD;
	s31 =	sshrl.u32 s29, $0x2  }
0xb9: {  	s1 =	sand.u32 $0x1, s29;
	s2 =	sand.u32 $0x4000, s30;
	s0 =	sadd.s32 s31, s28  }
0xba: {  	s1 =	sor.u32 s2, s1;
	s0 =	sshll.u32 s0, $0x11  }
0xbb: {  	s0 =	sor.u32 s0, s1  }
0xbc: {  	s0 =	sadd.s32 $0x8F2B, s0  }
0xbd: {  	[sflag:s0] =	ssyncadd.remote.s32 $0x1  }
0xbe: {  	_ =	sfence.sel $0xFFFF  }
0xbf: {  	[dreg:$0x0] =	wrdreg $0xFFFFFFFF;
	(pc) =	sbr.abs _section_cstart, $3  }
0xc0: {  	[dreg:$0x1] =	wrdreg $0xFFFFFFFF  }
0xc1: {  	_ =	task.clear_ibuf [dreg:s6], $0x2FFFF;
	_ =	strace $0x9FFFFFFF  }
0xc2: {  	(tm) =	ssettm $0x7FFFFFFF  }
0xc3: {  	_ =	shalt  }
tec
execute0_lowered:
.L_overlay_start_1:
0x0: {  	(tag) =	ssettag $0x1  }
0x1: {  	s1 =	stileid.u32  }
0x2: {  	p0 =	sgt.u32 s1, $0xB  }
.Ltmp0:
0x3: {  	s4 =	rddreg [dreg:$0x0];
	(pc) =	sbr.rel @p0 .LBB2_2-.Ltmp0, $4  }
0x4: {  	s3 =	rddreg [dreg:$0x1]  }
0x5: {  	s2 =	rddreg [dreg:$0x2];
	s5 =	simm.s32 $0x0  }
0x6: {  	[smem:$0x7FF] =	sst s5  }
0x7: {  	s0 =	rddreg [dreg:$0x3];
	_ =	strace $0x80000047  }
0x8: {  	s6 =	sshll.u32 s1, $0x1  }
0x9: {  	s26 =	simm.s32 $0x1;
	s4 =	sadd.s32 s4, s6  }
0xa: {  	[tilespmem:s5], [sflag:$0x1] =	stream.linear.gather [hbm4b:s4+s5], $0x10, $0x38;
	[tilespmem:$0x898] =	vst v63  }
0xb: {  	_ =	swait.ge [sflag:s26], $0x10  }
0xc: {  	s28 =	simm.s32 $0x10;
	[sflag:s26] =	ssyncset.done $0x0  }
0xd: {  	s29 =	simm.s32 $0x18;
	s30 =	simm.s32 $0x2;
	[sflag:s26] =	ssyncadd.s32 $0xFFFFFFF0  }
0xe: {  	[tilespmem:s29], [sflag:$0x2] =	stream.indirect.gather [hbm4b:s3+s28], $0x80, s5, s28, $0xb8;
	[tilespmem:$0x898] =	vst v63  }
0xf: {  	_ =	swait.ge [sflag:s30], $0x800  }
0x10: {  	[sflag:s30] =	ssyncset.done $0x0  }
0x11: {  	[sflag:s30] =	ssyncadd.s32 $0xFFFFF800  }
0x12: {  	v0 =	vld [tilespmem:$0x18]  }
0x13: {  	v1 =	vld [tilespmem:$0x98]  }
0x14: {  	v2 =	vld [tilespmem:$0x118]  }
0x15: {  	v3 =	vld [tilespmem:$0x198]  }
0x16: {  	v8 =	vld [tilespmem:$0x218]  }
0x17: {  	v9 =	vld [tilespmem:$0x298]  }
0x18: {  	v10 =	vld [tilespmem:$0x318]  }
0x19: {  	v11 =	vld [tilespmem:$0x398]  }
0x1a: {  	v13 =	vld [tilespmem:$0x418]  }
0x1b: {  	v15 =	vld [tilespmem:$0x498]  }
0x1c: {  	v17 =	vld [tilespmem:$0x518]  }
0x1d: {  	v30 =	vld [tilespmem:$0x598]  }
0x1e: {  	v4 =	vld [tilespmem:$0x618]  }
0x1f: {  	v62 =	vld [tilespmem:$0x698]  }
0x20: {  	v63 =	vld [tilespmem:$0x718]  }
0x21: {  	v12 =	vld [tilespmem:$0x798]  }
0x22: {  	v5 =	vld [tilespmem:$0x28]  }
0x23: {  	v7 =	vld [tilespmem:$0xA8]  }
0x24: {  	v18 =	vld [tilespmem:$0x128]  }
0x25: {  	v19 =	vld [tilespmem:$0x1A8]  }
0x26: {  	v20 =	vld [tilespmem:$0x228]  }
0x27: {  	v21 =	vld [tilespmem:$0x2A8]  }
0x28: {  	v22 =	vld [tilespmem:$0x328]  }
0x29: {  	v23 =	vld [tilespmem:$0x3A8]  }
0x2a: {  	v24 =	vld [tilespmem:$0x428]  }
0x2b: {  	v25 =	vld [tilespmem:$0x4A8]  }
0x2c: {  	v26 =	vld [tilespmem:$0x528]  }
0x2d: {  	v27 =	vld [tilespmem:$0x5A8]  }
0x2e: {  	v28 =	vld [tilespmem:$0x628]  }
0x2f: {  	v14 =	vld [tilespmem:$0x6A8]  }
0x30: {  	v16 =	vld [tilespmem:$0x728]  }
0x31: {  	v29 =	vld [tilespmem:$0x7A8]  }
0x32: {  	v32 =	vld [tilespmem:$0x38]  }
0x33: {  	v33 =	vld [tilespmem:$0xB8]  }
0x34: {  	v34 =	vld [tilespmem:$0x138]  }
0x35: {  	v35 =	vld [tilespmem:$0x1B8]  }
0x36: {  	v36 =	vld [tilespmem:$0x238]  }
0x37: {  	v37 =	vld [tilespmem:$0x2B8]  }
0x38: {  	v38 =	vld [tilespmem:$0x338]  }
0x39: {  	v39 =	vld [tilespmem:$0x3B8]  }
0x3a: {  	v40 =	vld [tilespmem:$0x438]  }
0x3b: {  	v41 =	vld [tilespmem:$0x4B8]  }
0x3c: {  	v42 =	vld [tilespmem:$0x538]  }
0x3d: {  	v43 =	vld [tilespmem:$0x5B8]  }
0x3e: {  	v44 =	vld [tilespmem:$0x638]  }
0x3f: {  	v45 =	vld [tilespmem:$0x6B8]  }
0x40: {  	v46 =	vld [tilespmem:$0x738]  }
0x41: {  	v47 =	vld [tilespmem:$0x7B8]  }
0x42: {  	v48 =	vld [tilespmem:$0x48]  }
0x43: {  	v49 =	vld [tilespmem:$0xC8]  }
0x44: {  	v50 =	vld [tilespmem:$0x148]  }
0x45: {  	v51 =	vld [tilespmem:$0x1C8]  }
0x46: {  	v52 =	vld [tilespmem:$0x248]  }
0x47: {  	v53 =	vld [tilespmem:$0x2C8]  }
0x48: {  	v54 =	vld [tilespmem:$0x348]  }
0x49: {  	v55 =	vld [tilespmem:$0x3C8]  }
0x4a: {  	v56 =	vld [tilespmem:$0x448]  }
0x4b: {  	v57 =	vld [tilespmem:$0x4C8]  }
0x4c: {  	v58 =	vld [tilespmem:$0x548]  }
0x4d: {  	v59 =	vld [tilespmem:$0x5C8]  }
0x4e: {  	v60 =	vld [tilespmem:$0x648]  }
0x4f: {  	v61 =	vld [tilespmem:$0x6C8]  }
0x50: {  	v6 =	vld [tilespmem:$0x58]  }
0x51: {  	v31 =	vld [tilespmem:$0x3D8]  }
0x52: {  	[tilespmem:$0x1FF90] =	vst v62;
	v62 =	vld [tilespmem:$0x748]  }
0x53: {  	[tilespmem:$0x1FFA0] =	vst v63;
	v63 =	vld [tilespmem:$0x7C8]  }
0x54: {  	[tilespmem:$0x1FF80] =	vst v4;
	v4 =	vld [tilespmem:$0xD8]  }
0x55: {  	[tilespmem:$0x1FFC0] =	vst v12;
	v12 =	vld [tilespmem:$0x158]  }
0x56: {  	[tilespmem:$0x1FFB0] =	vst v14;
	v14 =	vld [tilespmem:$0x1D8]  }
0x57: {  	[tilespmem:$0x1FFD0] =	vst v16;
	v16 =	vld [tilespmem:$0x258]  }
0x58: {  	[tilespmem:$0x1FFE0] =	vst v29;
	v29 =	vld [tilespmem:$0x2D8]  }
0x59: {  	v0 =	vadd.f32 v1, v0;
	v1 =	vld [tilespmem:$0x358]  }
0x5a: {  	v32 =	vadd.f32 v33, v32;
	v33 =	vld [tilespmem:$0x4D8]  }
0x5b: {  	v0 =	vadd.f32 v2, v0;
	v2 =	vadd.f32 v7, v5;
	v5 =	vld [tilespmem:$0x458]  }
0x5c: {  	v7 =	vld [tilespmem:$0x558]  }
0x5d: {  	[tilespmem:$0x1FFF0] =	vst v31;
	v31 =	vadd.f32 v49, v48;
	v32 =	vadd.f32 v34, v32;
	v34 =	vld [tilespmem:$0x6E8]  }
0x5e: {  	v2 =	vadd.f32 v18, v2;
	v18 =	vld [tilespmem:$0x5D8]  }
0x5f: {  	v50 =	vadd.f32 v50, v31;
	v0 =	vadd.f32 v3, v0;
	v3 =	vld [tilespmem:$0x658]  }
0x60: {  	v49 =	vadd.f32 v35, v32;
	v35 =	vld [tilespmem:$0x7E8]  }
0x61: {  	v32 =	vadd.f32 v51, v50;
	v50 =	vld [tilespmem:$0x1FFA0]  }
0x62: {  	v51 =	vld [tilespmem:$0x1FFB0]  }
0x63: {  	v48 =	vadd.f32 v19, v2;
	v2 =	vld [tilespmem:$0x6D8]  }
0x64: {  	v0 =	vadd.f32 v8, v0;
	v8 =	vld [tilespmem:$0x758]  }
0x65: {  	v19 =	vadd.f32 v36, v49;
	v49 =	vld [tilespmem:$0x1FF90]  }
0x66: {  	v9 =	vadd.f32 v9, v0;
	v0 =	vld [tilespmem:$0x7D8]  }
0x67: {  	v19 =	vadd.f32 v37, v19;
	v37 =	vadd.f32 v52, v32;
	v32 =	vld [tilespmem:$0xE8]  }
0x68: {  	v20 =	vadd.f32 v20, v48;
	v48 =	vld [tilespmem:$0x1FF80]  }
0x69: {  	v4 =	vadd.f32 v4, v6;
	v52 =	vld [tilespmem:$0x78]  }
0x6a: {  	v9 =	vadd.f32 v10, v9;
	v36 =	vadd.f32 v21, v20;
	v20 =	vld [tilespmem:$0x68]  }
0x6b: {  	v21 =	vadd.f32 v53, v37;
	v53 =	vld [tilespmem:$0xF8]  }
0x6c: {  	v4 =	vadd.f32 v12, v4;
	v9 =	vadd.f32 v11, v9;
	v11 =	vld [tilespmem:$0x168]  }
0x6d: {  	v10 =	vadd.f32 v22, v36;
	v22 =	vld [tilespmem:$0x1E8]  }
0x6e: {  	v4 =	vadd.f32 v14, v4;
	v21 =	vadd.f32 v54, v21;
	v54 =	vld [tilespmem:$0x1FFC0]  }
0x6f: {  	v19 =	vadd.f32 v38, v19;
	v36 =	vld [tilespmem:$0x208]  }
0x70: {  	v4 =	vadd.f32 v16, v4;
	v9 =	vadd.f32 v13, v9;
	v13 =	vld [tilespmem:$0x268]  }
0x71: {  	v19 =	vadd.f32 v39, v19;
	v10 =	vadd.f32 v23, v10;
	v23 =	vld [tilespmem:$0x2E8]  }
0x72: {  	v4 =	vadd.f32 v29, v4;
	v21 =	vadd.f32 v55, v21;
	v55 =	vld [tilespmem:$0x1FFD0]  }
0x73: {  	v19 =	vadd.f32 v40, v19;
	v40 =	vld [tilespmem:$0x2F8];
	v31 =	vadd.f32 v53, v52  }
0x74: {  	v1 =	vadd.f32 v1, v4;
	v52 =	vld [tilespmem:$0x578];
	v21 =	vadd.f32 v56, v21  }
0x75: {  	v53 =	vld [tilespmem:$0x508];
	v9 =	vadd.f32 v15, v9;
	v10 =	vadd.f32 v24, v10  }
0x76: {  	v19 =	vadd.f32 v41, v19;
	v56 =	vld [tilespmem:$0x178];
	v21 =	vadd.f32 v57, v21  }
0x77: {  	v15 =	vld [tilespmem:$0x368];
	v9 =	vadd.f32 v17, v9;
	v10 =	vadd.f32 v25, v10  }
0x78: {  	v24 =	vld [tilespmem:$0x3E8];
	v19 =	vadd.f32 v42, v19;
	v21 =	vadd.f32 v58, v21  }
0x79: {  	v41 =	vld [tilespmem:$0x288];
	v9 =	vadd.f32 v30, v9;
	v10 =	vadd.f32 v26, v10  }
0x7a: {  	v17 =	vld [tilespmem:$0x468];
	v19 =	vadd.f32 v43, v19;
	v21 =	vadd.f32 v59, v21  }
0x7b: {  	v25 =	vld [tilespmem:$0x4E8];
	v37 =	vadd.f32 v56, v31;
	v9 =	vadd.f32 v48, v9  }
0x7c: {  	v57 =	vld [tilespmem:$0x88];
	v10 =	vadd.f32 v27, v10;
	v21 =	vadd.f32 v60, v21  }
0x7d: {  	v19 =	vadd.f32 v44, v19;
	v59 =	vld [tilespmem:$0x108];
	v9 =	vadd.f32 v49, v9  }
0x7e: {  	v48 =	vld [tilespmem:$0x1FFF0];
	v10 =	vadd.f32 v28, v10;
	v21 =	vadd.f32 v61, v21  }
0x7f: {  	v19 =	vadd.f32 v45, v19;
	v60 =	vld [tilespmem:$0x1F8];
	v9 =	vadd.f32 v50, v9  }
0x80: {  	v61 =	vadd.f32 v32, v20;
	v21 =	vadd.f32 v62, v21;
	v62 =	vld [tilespmem:$0x188]  }
0x81: {  	v42 =	vld [tilespmem:$0x378];
	v10 =	vadd.f32 v51, v10;
	v19 =	vadd.f32 v46, v19  }
0x82: {  	v11 =	vadd.f32 v11, v61;
	v21 =	vadd.f32 v63, v21;
	v63 =	vld [tilespmem:$0x278]  }
0x83: {  	v26 =	vld [tilespmem:$0x568];
	v6 =	vadd.f32 v59, v57;
	v1 =	vadd.f32 v48, v1  }
0x84: {  	v30 =	vld [tilespmem:$0x5E8];
	v9 =	vadd.f32 v54, v9;
	v11 =	vadd.f32 v22, v11  }
0x85: {  	v58 =	vld [tilespmem:$0x1FFE0];
	v14 =	vadd.f32 v60, v37;
	v6 =	vadd.f32 v62, v6  }
0x86: {  	v43 =	vld [tilespmem:$0x308];
	v10 =	vadd.f32 v55, v10;
	v11 =	vadd.f32 v13, v11  }
0x87: {  	v44 =	vld [tilespmem:$0x3F8];
	v14 =	vadd.f32 v63, v14;
	v6 =	vadd.f32 v36, v6  }
0x88: {  	v46 =	vld [tilespmem:$0x388];
	v19 =	vadd.f32 v47, v19;
	v45 =	vadd.f32 v23, v11  }
0x89: {  	v49 =	vld [tilespmem:$0x408];
	v14 =	vadd.f32 v40, v14;
	v6 =	vadd.f32 v41, v6  }
0x8a: {  	v47 =	vld [tilespmem:$0x478];
	v1 =	vadd.f32 v5, v1;
	v4 =	vadd.f32 v15, v45  }
0x8b: {  	v50 =	vld [tilespmem:$0x4F8];
	v14 =	vadd.f32 v42, v14;
	v6 =	vadd.f32 v43, v6  }
0x8c: {  	v51 =	vld [tilespmem:$0x488];
	v10 =	vadd.f32 v58, v10;
	v4 =	vadd.f32 v24, v4  }
0x8d: {  	v56 =	vld [tilespmem:$0x678];
	v12 =	vadd.f32 v44, v14;
	v6 =	vadd.f32 v46, v6  }
0x8e: {  	v27 =	vld [tilespmem:$0x668];
	v1 =	vadd.f32 v33, v1;
	v4 =	vadd.f32 v17, v4  }
0x8f: {  	v54 =	vld [tilespmem:$0x5F8];
	v12 =	vadd.f32 v47, v12;
	v6 =	vadd.f32 v49, v6  }
0x90: {  	v55 =	vld [tilespmem:$0x588];
	v1 =	vadd.f32 v7, v1;
	v4 =	vadd.f32 v25, v4  }
0x91: {  	v28 =	vld [tilespmem:$0x768];
	v12 =	vadd.f32 v50, v12;
	v5 =	vadd.f32 v51, v6  }
0x92: {  	v57 =	vld [tilespmem:$0x608];
	v1 =	vadd.f32 v18, v1;
	v4 =	vadd.f32 v26, v4  }
0x93: {  	v59 =	vld [tilespmem:$0x688];
	v11 =	vadd.f32 v52, v12;
	v5 =	vadd.f32 v53, v5  }
0x94: {  	v58 =	vld [tilespmem:$0x6F8];
	v1 =	vadd.f32 v3, v1;
	v3 =	vadd.f32 v30, v4  }
0x95: {  	v60 =	vld [tilespmem:$0x778];
	v11 =	vadd.f32 v54, v11;
	v5 =	vadd.f32 v55, v5  }
0x96: {  	v1 =	vadd.f32 v2, v1;
	v2 =	vadd.f32 v27, v3;
	v3 =	vld [tilespmem:$0x708]  }
0x97: {  	v61 =	vld [tilespmem:$0x7F8];
	v6 =	vadd.f32 v56, v11;
	v5 =	vadd.f32 v57, v5  }
0x98: {  	v62 =	vld [tilespmem:$0x788];
	v1 =	vadd.f32 v8, v1;
	v2 =	vadd.f32 v34, v2  }
0x99: {  	[tilespmem:$0x818] =	vst v9;
	v6 =	vadd.f32 v58, v6;
	v4 =	vadd.f32 v59, v5  }
0x9a: {  	[tilespmem:$0x838] =	vst v19;
	v0 =	vadd.f32 v0, v1;
	v1 =	vadd.f32 v28, v2;
	v2 =	vld [tilespmem:$0x808]  }
.Ltmp1:
0x9b: {  	[tilespmem:$0x828] =	vst v10;
	v63 =	vadd.f32 v60, v6;
	v3 =	vadd.f32 v3, v4;
	(pc) =	sbr.rel .LBB2_4-.Ltmp1, $4  }
0x9c: {  	[tilespmem:$0x848] =	vst v21;
	v1 =	vadd.f32 v35, v1  }
0x9d: {  	[tilespmem:$0x858] =	vst v0;
	v0 =	vadd.f32 v61, v63;
	v3 =	vadd.f32 v62, v3  }
0x9e: {  	s2 =	sadd.s32 $0xE00, s2;
	s31 =	sshll.u32 s1, $0x4;
	[tilespmem:$0x868] =	vst v1  }
0x9f: {  	s2 =	sadd.s32 s2, s31;
	[tilespmem:$0x878] =	vst v0;
	v0 =	vadd.f32 v2, v3  }
.LBB2_2:
0xa0: {  	p0 =	sne.s32 s1, $0xC  }
.Ltmp2:
0xa1: {  	_ = 	snop;
	(pc) =	sbr.rel @p0 .LBB2_5-.Ltmp2, $1  }
0xa2: {  	_ =	sdelay $0x3  }
0xa3: {  	s4 =	sadd.s32 $0x18, s4  }
0xa4: {  	s5 =	simm.s32 $0x0;
	s6 =	simm.s32 $0x10;
	s28 =	simm.s32 $0x1  }
0xa5: {  	[tilespmem:s6], [sflag:$0x1] =	stream.linear.gather [hbm4b:s4+s5], $0x8, $0x38;
	[tilespmem:$0x898] =	vst v63  }
0xa6: {  	_ =	swait.ge [sflag:s28], $0x8  }
0xa7: {  	s29 =	simm.s32 $0x8;
	[sflag:s28] =	ssyncset.done $0x0  }
0xa8: {  	s30 =	simm.s32 $0x18;
	s31 =	simm.s32 $0x2;
	[sflag:s28] =	ssyncadd.s32 $0xFFFFFFF8  }
0xa9: {  	[tilespmem:s30], [sflag:$0x2] =	stream.indirect.gather [hbm4b:s3+s29], $0x80, s6, s29, $0xb8;
	[tilespmem:$0x898] =	vst v63  }
0xaa: {  	_ =	swait.ge [sflag:s31], $0x400  }
0xab: {  	[sflag:s31] =	ssyncset.done $0x0  }
0xac: {  	[sflag:s31] =	ssyncadd.s32 $0xFFFFFC00  }
0xad: {  	v0 =	vld [tilespmem:$0x18]  }
0xae: {  	v1 =	vld [tilespmem:$0x98]  }
0xaf: {  	v2 =	vld [tilespmem:$0x118]  }
0xb0: {  	v3 =	vld [tilespmem:$0x198]  }
0xb1: {  	v4 =	vld [tilespmem:$0x218]  }
0xb2: {  	v5 =	vld [tilespmem:$0x298]  }
0xb3: {  	v6 =	vld [tilespmem:$0x318]  }
0xb4: {  	v7 =	vld [tilespmem:$0x398]  }
0xb5: {  	v8 =	vld [tilespmem:$0x28]  }
0xb6: {  	v9 =	vld [tilespmem:$0xA8]  }
0xb7: {  	v10 =	vld [tilespmem:$0x128]  }
0xb8: {  	v11 =	vld [tilespmem:$0x1A8]  }
0xb9: {  	v12 =	vld [tilespmem:$0x228]  }
0xba: {  	v13 =	vld [tilespmem:$0x2A8]  }
0xbb: {  	v14 =	vld [tilespmem:$0x328]  }
0xbc: {  	v15 =	vld [tilespmem:$0x3A8]  }
0xbd: {  	v16 =	vld [tilespmem:$0x38]  }
0xbe: {  	v17 =	vld [tilespmem:$0xB8]  }
0xbf: {  	v18 =	vld [tilespmem:$0x138]  }
0xc0: {  	v19 =	vld [tilespmem:$0x1B8]  }
0xc1: {  	v20 =	vld [tilespmem:$0x238]  }
0xc2: {  	v21 =	vld [tilespmem:$0x2B8]  }
0xc3: {  	v22 =	vld [tilespmem:$0x338]  }
0xc4: {  	v23 =	vld [tilespmem:$0x3B8]  }
0xc5: {  	v24 =	vld [tilespmem:$0x48]  }
0xc6: {  	v25 =	vld [tilespmem:$0xC8]  }
0xc7: {  	v26 =	vld [tilespmem:$0x148]  }
0xc8: {  	v27 =	vld [tilespmem:$0x1C8]  }
0xc9: {  	v28 =	vld [tilespmem:$0x248]  }
0xca: {  	v29 =	vld [tilespmem:$0x2C8]  }
0xcb: {  	v30 =	vld [tilespmem:$0x348]  }
0xcc: {  	v31 =	vld [tilespmem:$0x3C8]  }
0xcd: {  	v32 =	vld [tilespmem:$0x58]  }
0xce: {  	v33 =	vld [tilespmem:$0xD8]  }
0xcf: {  	v34 =	vld [tilespmem:$0x158]  }
0xd0: {  	v35 =	vld [tilespmem:$0x1D8]  }
0xd1: {  	v49 =	vld [tilespmem:$0x88]  }
0xd2: {  	v51 =	vld [tilespmem:$0x108]  }
0xd3: {  	v62 =	vld [tilespmem:$0x68]  }
0xd4: {  	v39 =	vld [tilespmem:$0xE8]  }
0xd5: {  	v36 =	vld [tilespmem:$0x258];
	v0 =	vadd.f32 v1, v0;
	v63 =	vadd.f32 v17, v16  }
0xd6: {  	v37 =	vld [tilespmem:$0x2D8];
	v40 =	vadd.f32 v25, v24;
	v50 =	vadd.f32 v33, v32  }
0xd7: {  	v38 =	vld [tilespmem:$0x3D8];
	v56 =	vadd.f32 v51, v49;
	v0 =	vadd.f32 v2, v0  }
0xd8: {  	v41 =	vld [tilespmem:$0x1E8];
	v2 =	vadd.f32 v9, v8;
	v9 =	vadd.f32 v18, v63  }
0xd9: {  	v42 =	vld [tilespmem:$0x268];
	v8 =	vadd.f32 v39, v62;
	v0 =	vadd.f32 v3, v0  }
0xda: {  	v2 =	vadd.f32 v10, v2;
	v3 =	vld [tilespmem:$0x168];
	v9 =	vadd.f32 v19, v9  }
0xdb: {  	v43 =	vld [tilespmem:$0x2E8];
	v10 =	vadd.f32 v26, v40;
	v0 =	vadd.f32 v4, v0  }
0xdc: {  	v46 =	vld [tilespmem:$0x78];
	v2 =	vadd.f32 v11, v2;
	v9 =	vadd.f32 v20, v9  }
0xdd: {  	v47 =	vld [tilespmem:$0xF8];
	v10 =	vadd.f32 v27, v10;
	v0 =	vadd.f32 v5, v0  }
0xde: {  	v44 =	vld [tilespmem:$0x368];
	v2 =	vadd.f32 v12, v2;
	v9 =	vadd.f32 v21, v9  }
0xdf: {  	v45 =	vld [tilespmem:$0x3E8];
	v10 =	vadd.f32 v28, v10;
	v3 =	vadd.f32 v3, v8  }
0xe0: {  	v48 =	vld [tilespmem:$0x178];
	v0 =	vadd.f32 v6, v0;
	v2 =	vadd.f32 v13, v2  }
0xe1: {  	v52 =	vld [tilespmem:$0x1F8];
	v9 =	vadd.f32 v22, v9;
	v10 =	vadd.f32 v29, v10  }
0xe2: {  	v53 =	vld [tilespmem:$0x188];
	v6 =	vadd.f32 v47, v46;
	v2 =	vadd.f32 v14, v2  }
0xe3: {  	v54 =	vld [tilespmem:$0x278];
	v3 =	vadd.f32 v41, v3;
	v0 =	vadd.f32 v7, v0  }
0xe4: {  	v55 =	vld [tilespmem:$0x208];
	v2 =	vadd.f32 v15, v2;
	v15 =	vadd.f32 v34, v50  }
0xe5: {  	v57 =	vld [tilespmem:$0x2F8];
	v9 =	vadd.f32 v23, v9;
	v10 =	vadd.f32 v30, v10  }
0xe6: {  	v58 =	vld [tilespmem:$0x288];
	v6 =	vadd.f32 v48, v6;
	v15 =	vadd.f32 v35, v15  }
0xe7: {  	v1 =	vld [tilespmem:$0x358];
	v7 =	vadd.f32 v53, v56;
	v3 =	vadd.f32 v42, v3  }
0xe8: {  	v60 =	vld [tilespmem:$0x308];
	v6 =	vadd.f32 v52, v6;
	v15 =	vadd.f32 v36, v15  }
0xe9: {  	v59 =	vld [tilespmem:$0x378];
	v10 =	vadd.f32 v31, v10;
	v7 =	vadd.f32 v55, v7  }
0xea: {  	v61 =	vld [tilespmem:$0x3F8];
	v6 =	vadd.f32 v54, v6;
	v15 =	vadd.f32 v37, v15  }
0xeb: {  	v62 =	vld [tilespmem:$0x388];
	v3 =	vadd.f32 v43, v3;
	v63 =	vadd.f32 v58, v7  }
0xec: {  	[tilespmem:$0x818] =	vst v0;
	v0 =	vadd.f32 v57, v6;
	v1 =	vadd.f32 v1, v15  }
0xed: {  	[tilespmem:$0x828] =	vst v2;
	v2 =	vadd.f32 v44, v3;
	v3 =	vld [tilespmem:$0x408];
	v4 =	vadd.f32 v60, v63  }
0xee: {  	[tilespmem:$0x838] =	vst v9;
	v0 =	vadd.f32 v59, v0;
	v1 =	vadd.f32 v38, v1  }
0xef: {  	[tilespmem:$0x848] =	vst v10;
	v2 =	vadd.f32 v45, v2  }
0xf0: {  	v0 =	vadd.f32 v61, v0;
	[tilespmem:$0x858] =	vst v1;
	v1 =	vadd.f32 v62, v4  }
0xf1: {  	[tilespmem:$0x868] =	vst v2  }
0xf2: {  	s2 =	sadd.s32 $0xEC0, s2;
	[tilespmem:$0x878] =	vst v0;
	v0 =	vadd.f32 v3, v1  }
.LBB2_4:
0xf3: {  	_ = 	snop  }
0xf4: {  	s3 =	simm.s32 $0x0;
	s4 =	simm.s32 $0x818;
	s31 =	simm.s32 $0x3;
	[tilespmem:$0x888] =	vst v0  }
0xf5: {  	[hbm4b:s2+s3] =	stream.linear.scatter [tilespmem:s4], [sflag:$0x3], $0x80, $0x38;
	[tilespmem:$0x898] =	vst v63  }
0xf6: {  	_ =	swait.ge [sflag:s31], $0x80  }
0xf7: {  	[sflag:s31] =	ssyncset.done $0x0  }
0xf8: {  	[sflag:s31] =	ssyncadd.s32 $0xFFFFFF80  }
.LBB2_5:
0xf9: {  	_ =	sfence.sel $0x180000  }
0xfa: {  	[bflag:$0x0] =	sbarrier.arrive $0xFFFF  }
0xfb: {  	p0 =	sne.s32 s1, $0x0;
	_ =	strace $0x90000047  }
0xfc: {  	s0 =	sadd.s32 @!p0 $0x100000, s0;
	[bflag:$0x2] =	sbarrier.arrive $0xFFFF  }
0xfd: {  	[sflag:s0] =	ssyncadd.tile.s32 @!p0 $0x1;
	_ =	shalt  }
.Lfunc_end2:
_tile_overlayer_lowered:
.L_overlay_start_2:
0xfe: {  	(tag) =	ssettag $0x2  }
0xff: {  	s0 =	rddreg [dreg:$0x0];
	s2 =	stileid.u32  }
0x100: {  	s1 =	rddreg [dreg:$0x1];
	p0 =	sne.s32 s2, $0x0  }
0x101: {  	s3 =	rddreg [dreg:$0x2];
	[bflag:$0x3] =	sbarrier.arrive $0xFFFF;
	s2 =	simm.s32 @!p0 $0x1C03  }
0x102: {  	[timem:s3], [sflag:s2] =	dma.local @!p0 [hbm:s0], s1  }
0x103: {  	s0 =	simm.s32 @!p0 $0x3  }
0x104: {  	_ =	swait.ge @!p0 [sflag:s0], s1  }
0x105: {  	s1 =	ssub.s32 @!p0 $0x0, s1;
	[sflag:s0] =	ssyncset.done @!p0 $0x0  }
0x106: {  	[sflag:s0] =	ssyncadd.s32 @!p0 s1  }
0x107: {  	[bflag:$0x3] =	sbarrier.arrive $0xFFFF  }
0x108: {  	_ =	shalt  }

</sc_bundles>
